<compile_context>
chip_gen: v7x
topology: tpu7x:2x2x1
jax: 0.10.2.dev20260603
libtpu: 0.0.44.dev20260713+nightly
codegen_flags: <defaults>
</compile_context>

<pallas_src>
import functools

import jax
import jax.numpy as jnp
from jax import lax
from jax.experimental import pallas as pl
from jax.experimental.pallas import tpu as pltpu
from jax.experimental.pallas import tpu_sc as plsc

_STATE = 128
_N_IO = 320000
_N_VAL = 160000

_V_SC = 32000
_V_TC = _N_VAL - _V_SC

_TC_STEPS = 40
_IO_BLK = _N_IO // _TC_STEPS
_VT_BLK = _V_TC // _TC_STEPS
_VT_OFF = _V_SC // _VT_BLK


def _tc_sum_kernel(io_ref, vt_ref, io_out, vt_out, io_acc, vt_acc):
    i = pl.program_id(0)

    @pl.when(i == 0)
    def _init():
        io_acc[...] = jnp.zeros_like(io_acc)
        vt_acc[...] = jnp.zeros_like(vt_acc)

    io_acc[...] += jnp.sum(io_ref[...], axis=0, keepdims=True)
    vt_acc[...] += jnp.sum(vt_ref[...], axis=0, keepdims=True)

    @pl.when(i == _TC_STEPS - 1)
    def _finish():
        io_out[...] = io_acc[...]
        vt_out[...] = vt_acc[...]


def _tc_sums(io_embed, value_embed):
    return pl.pallas_call(
        _tc_sum_kernel,
        grid=(_TC_STEPS,),
        in_specs=[
            pl.BlockSpec((_IO_BLK, 2 * _STATE), lambda i: (i, 0)),
            pl.BlockSpec((_VT_BLK, _STATE), lambda i: (i + _VT_OFF, 0)),
        ],
        out_specs=[
            pl.BlockSpec((1, 2 * _STATE), lambda i: (0, 0)),
            pl.BlockSpec((1, _STATE), lambda i: (0, 0)),
        ],
        out_shape=[
            jax.ShapeDtypeStruct((1, 2 * _STATE), jnp.float32),
            jax.ShapeDtypeStruct((1, _STATE), jnp.float32),
        ],
        scratch_shapes=[
            pltpu.VMEM((1, 2 * _STATE), jnp.float32),
            pltpu.VMEM((1, _STATE), jnp.float32),
        ],
    )(io_embed, value_embed)


_NS = 16
_VAL_PER_W = _V_SC // _NS
_VAL_CHUNK = 400
_VAL_NCHUNK = _VAL_PER_W // _VAL_CHUNK
_ROW_UNROLL = 4


def _sc_val_kernel(val_hbm, out_hbm, buf0, buf1, accv, sem0, sem1):
    wid = lax.axis_index("s")
    base = wid * _VAL_PER_W
    bufs = (buf0, buf1)
    sems = (sem0, sem1)
    last = base + (_VAL_NCHUNK - 1) * _VAL_CHUNK

    def start(chunk_idx, k):
        off = jnp.minimum(base + chunk_idx * _VAL_CHUNK, last)
        return pltpu.async_copy(
            val_hbm.at[pl.ds(off, _VAL_CHUNK)], bufs[k], sems[k])

    start(0, 0)
    start(1, 1)

    def accum(buf, acc):
        def body(r, acc):
            accs = list(acc)
            for u in range(_ROW_UNROLL):
                row = r * _ROW_UNROLL + u
                for j in range(8):
                    accs[j] = accs[j] + buf[row, pl.ds(16 * j, 16)]
            return tuple(accs)

        return lax.fori_loop(0, _VAL_CHUNK // _ROW_UNROLL, body, acc)

    def pair_body(i, acc):
        pltpu.make_async_copy(
            val_hbm.at[pl.ds(base, _VAL_CHUNK)], bufs[0], sems[0]).wait()
        acc = accum(bufs[0], acc)
        start(2 * i + 2, 0)
        pltpu.make_async_copy(
            val_hbm.at[pl.ds(base, _VAL_CHUNK)], bufs[1], sems[1]).wait()
        acc = accum(bufs[1], acc)
        start(2 * i + 3, 1)
        return acc

    acc = tuple(jnp.zeros((16,), jnp.float32) for _ in range(8))
    acc = lax.fori_loop(0, _VAL_NCHUNK // 2, pair_body, acc)

    pltpu.make_async_copy(
        val_hbm.at[pl.ds(base, _VAL_CHUNK)], bufs[0], sems[0]).wait()
    acc = accum(bufs[0], acc)
    pltpu.make_async_copy(
        val_hbm.at[pl.ds(base, _VAL_CHUNK)], bufs[1], sems[1]).wait()

    for j in range(8):
        accv[pl.ds(16 * j, 16)] = acc[j]
    pltpu.sync_copy(accv, out_hbm.at[wid])


def _val_partials(value_embed):
    mesh = plsc.VectorSubcoreMesh(
        core_axis_name="c", subcore_axis_name="s", num_cores=1)
    run = functools.partial(
        pl.kernel,
        mesh=mesh,
        out_type=jax.ShapeDtypeStruct((_NS, _STATE), jnp.float32),
        scratch_types=[
            pltpu.VMEM((_VAL_CHUNK, _STATE), jnp.float32),
            pltpu.VMEM((_VAL_CHUNK, _STATE), jnp.float32),
            pltpu.VMEM((_STATE,), jnp.float32),
            pltpu.SemaphoreType.DMA,
            pltpu.SemaphoreType.DMA,
        ],
    )(_sc_val_kernel)
    return run(value_embed)


def _combine_kernel(io_sum_ref, vt_sum_ref, part_ref, w_ref, b_ref, out_ref):
    io_mean = io_sum_ref[...] / _N_IO
    val_sum = vt_sum_ref[...] + jnp.sum(part_ref[...], axis=0,
                                        keepdims=True)
    val_mean = val_sum / _N_VAL
    joint = jnp.concatenate([io_mean, val_mean], axis=1)
    out_ref[...] = (
        lax.dot_general(joint, w_ref[...], (((1,), (1,)), ((), ())),
                        preferred_element_type=jnp.float32)
        + b_ref[...]
    )


def _combine(io_sum, vt_sum, parts, W, b2):
    return pl.pallas_call(
        _combine_kernel,
        out_shape=jax.ShapeDtypeStruct((1, _STATE), jnp.float32),
    )(io_sum, vt_sum, parts, W, b2)


def kernel(io_embed, value_embed, W, b):
    parts = _val_partials(value_embed)
    io_sum, vt_sum = _tc_sums(io_embed, value_embed)
    return _combine(io_sum, vt_sum, parts, W, b.reshape(1, _STATE))

# --- scband reference (transcript-rebuilt; emitter-appended) ---
"""Pipeline reference for scband-pooling-state-18906446037413 (READ-ONLY COPY).

The authoritative reference and input builder live on the scoring server;
editing this copy changes nothing except your own understanding.
"""

import jax, jax.numpy as jnp
import numpy as np

STATE_DIM = 128
N_IO = 320000
N_VAL = 160000

def setup_inputs(seed: int = 0) -> dict:
    key = jax.random.key(seed)
    k1, k2, k3, k4 = jax.random.split(key, 4)
    io_embed = jax.random.normal(k1, (N_IO, 2 * STATE_DIM), dtype=jnp.float32)
    value_embed = jax.random.normal(k2, (N_VAL, STATE_DIM), dtype=jnp.float32)
    fan_in = 3 * STATE_DIM
    bound = 1.0 / np.sqrt(fan_in)
    W = jax.random.uniform(k3, (STATE_DIM, 3 * STATE_DIM), dtype=jnp.float32, minval=-bound, maxval=bound)
    b = jax.random.uniform(k4, (STATE_DIM,), dtype=jnp.float32, minval=-bound, maxval=bound)
    return {"io_embed": io_embed, "value_embed": value_embed, "W": W, "b": b}

def reference(io_embed, value_embed, W, b):
    # PoolingState.forward with pool_method='mean', value_mask=None
    io_state = jnp.mean(io_embed, axis=0, keepdims=True)        # [1, 2*state_dim]
    value_state = jnp.mean(value_embed, axis=0, keepdims=True)  # [1, state_dim]
    joint_state = jnp.concatenate((io_state, value_state), axis=1)  # [1, 3*state_dim]
    return joint_state @ W.T + b  # nn.Linear(state_dim*3, state_dim)

if __name__ == "__main__":
    import jax
    _d = setup_inputs()
    print(jax.jit(kernel)(*tuple(_d.values())))

</pallas_src>

<mosaic_0001>
#map = affine_map<(d0, d1) -> (0, 0)>
module attributes {stable_mosaic.version = 14 : i64} {
  func.func @_sc_val_kernel(%arg0: i32, %arg1: i32, %arg2: memref<160000x128xf32, #tpu.memory_space<hbm>>, %arg3: memref<16x128xf32, #tpu.memory_space<hbm>>, %arg4: memref<400x128xf32, #tpu.memory_space<vmem>>, %arg5: memref<400x128xf32, #tpu.memory_space<vmem>>, %arg6: memref<128xf32, #tpu.memory_space<vmem>>, %arg7: memref<!tpu.dma_semaphore, #tpu.memory_space<semaphore_mem>>, %arg8: memref<!tpu.dma_semaphore, #tpu.memory_space<semaphore_mem>>) attributes {dimension_semantics = [#tpu.dimension_semantics<core_parallel>, #tpu.dimension_semantics<subcore_parallel>], iteration_bounds = array<i64: 1, 16>, scalar_prefetch = 0 : i64, scratch_operands = 5 : i64, tpu.core_type = #tpu.core_type<sc_vector_subcore>, window_params = [{transform_indices = #map}, {transform_indices = #map}]} {
    %mul3A = arith.constant 2000 : i32
    %mul3A_0 = arith.muli %arg1, %mul3A : i32
    %add3A = arith.constant 1600 : i32
    %add3A_1 = arith.addi %mul3A_0, %add3A : i32
    %add3A_2 = arith.constant 0 : i32
    %add3A_3 = arith.addi %mul3A_0, %add3A_2 : i32
    %min3A = arith.minsi %add3A_3, %add3A_1 : i32
    %dma_start3A = arith.constant 0 : i32
    %dma_start3A_4 = tpu.memref_slice %arg2[%min3A, %dma_start3A] : memref<160000x128xf32, #tpu.memory_space<hbm>> -> memref<400x128xf32, #tpu.memory_space<hbm>>
    %dma_start3A_5 = arith.constant 0 : i32
    %dma_start3A_6 = tpu.memref_slice %arg2[%min3A, %dma_start3A_5] : memref<160000x128xf32, #tpu.memory_space<hbm>> -> memref<400x128xf32, #tpu.memory_space<hbm>>
    tpu.enqueue_dma source(%dma_start3A_6 : memref<400x128xf32, #tpu.memory_space<hbm>>) target(%arg4 : memref<400x128xf32, #tpu.memory_space<vmem>>) target_semaphore(%arg7 : memref<!tpu.dma_semaphore, #tpu.memory_space<semaphore_mem>>)
    %add3A_7 = arith.constant 400 : i32
    %add3A_8 = arith.addi %mul3A_0, %add3A_7 : i32
    %min3A_9 = arith.minsi %add3A_8, %add3A_1 : i32
    %dma_start3A_10 = arith.constant 0 : i32
    %dma_start3A_11 = tpu.memref_slice %arg2[%min3A_9, %dma_start3A_10] : memref<160000x128xf32, #tpu.memory_space<hbm>> -> memref<400x128xf32, #tpu.memory_space<hbm>>
    %dma_start3A_12 = arith.constant 0 : i32
    %dma_start3A_13 = tpu.memref_slice %arg2[%min3A_9, %dma_start3A_12] : memref<160000x128xf32, #tpu.memory_space<hbm>> -> memref<400x128xf32, #tpu.memory_space<hbm>>
    tpu.enqueue_dma source(%dma_start3A_13 : memref<400x128xf32, #tpu.memory_space<hbm>>) target(%arg5 : memref<400x128xf32, #tpu.memory_space<vmem>>) target_semaphore(%arg8 : memref<!tpu.dma_semaphore, #tpu.memory_space<semaphore_mem>>)
    %broadcast_in_dim3A = arith.constant 0.000000e+00 : f32
    %broadcast_in_dim3A_14 = vector.broadcast %broadcast_in_dim3A : f32 to vector<16xf32>
    %broadcast_in_dim3A_15 = arith.constant 0.000000e+00 : f32
    %broadcast_in_dim3A_16 = vector.broadcast %broadcast_in_dim3A_15 : f32 to vector<16xf32>
    %broadcast_in_dim3A_17 = arith.constant 0.000000e+00 : f32
    %broadcast_in_dim3A_18 = vector.broadcast %broadcast_in_dim3A_17 : f32 to vector<16xf32>
    %broadcast_in_dim3A_19 = arith.constant 0.000000e+00 : f32
    %broadcast_in_dim3A_20 = vector.broadcast %broadcast_in_dim3A_19 : f32 to vector<16xf32>
    %broadcast_in_dim3A_21 = arith.constant 0.000000e+00 : f32
    %broadcast_in_dim3A_22 = vector.broadcast %broadcast_in_dim3A_21 : f32 to vector<16xf32>
    %broadcast_in_dim3A_23 = arith.constant 0.000000e+00 : f32
    %broadcast_in_dim3A_24 = vector.broadcast %broadcast_in_dim3A_23 : f32 to vector<16xf32>
    %broadcast_in_dim3A_25 = arith.constant 0.000000e+00 : f32
    %broadcast_in_dim3A_26 = vector.broadcast %broadcast_in_dim3A_25 : f32 to vector<16xf32>
    %broadcast_in_dim3A_27 = arith.constant 0.000000e+00 : f32
    %broadcast_in_dim3A_28 = vector.broadcast %broadcast_in_dim3A_27 : f32 to vector<16xf32>
    %scan3A = arith.constant 0 : i32
    %scan3A_29 = arith.constant 2 : i32
    %scan3A_30 = arith.addi %scan3A, %scan3A_29 : i32
    %scan3A_31 = arith.constant 1 : i32
    %scan3A_32:8 = scf.for %scan3A_78 = %scan3A to %scan3A_30 step %scan3A_31 iter_args(%scan3A_79 = %broadcast_in_dim3A_14, %scan3A_80 = %broadcast_in_dim3A_16, %scan3A_81 = %broadcast_in_dim3A_18, %scan3A_82 = %broadcast_in_dim3A_20, %scan3A_83 = %broadcast_in_dim3A_22, %scan3A_84 = %broadcast_in_dim3A_24, %scan3A_85 = %broadcast_in_dim3A_26, %scan3A_86 = %broadcast_in_dim3A_28) -> (vector<16xf32>, vector<16xf32>, vector<16xf32>, vector<16xf32>, vector<16xf32>, vector<16xf32>, vector<16xf32>, vector<16xf32>)  : i32 {
      %dma_wait3A_87 = arith.constant 0 : i32
      %dma_wait3A_88 = tpu.memref_slice %arg2[%mul3A_0, %dma_wait3A_87] : memref<160000x128xf32, #tpu.memory_space<hbm>> -> memref<400x128xf32, #tpu.memory_space<hbm>>
      %dma_wait3A_89 = arith.constant 0 : i32
      %dma_wait3A_90 = tpu.memref_slice %arg2[%mul3A_0, %dma_wait3A_89] : memref<160000x128xf32, #tpu.memory_space<hbm>> -> memref<400x128xf32, #tpu.memory_space<hbm>>
      tpu.wait_dma2 semaphore(%arg7 : memref<!tpu.dma_semaphore, #tpu.memory_space<semaphore_mem>>) src(%dma_wait3A_90 : memref<400x128xf32, #tpu.memory_space<hbm>>) dst(%arg4 : memref<400x128xf32, #tpu.memory_space<vmem>>)
      %scan3A_91 = arith.constant 0 : i32
      %scan3A_92 = arith.constant 100 : i32
      %scan3A_93 = arith.addi %scan3A_91, %scan3A_92 : i32
      %scan3A_94 = arith.constant 1 : i32
      %scan3A_95:8 = scf.for %scan3A_131 = %scan3A_91 to %scan3A_93 step %scan3A_94 iter_args(%scan3A_132 = %scan3A_79, %scan3A_133 = %scan3A_80, %scan3A_134 = %scan3A_81, %scan3A_135 = %scan3A_82, %scan3A_136 = %scan3A_83, %scan3A_137 = %scan3A_84, %scan3A_138 = %scan3A_85, %scan3A_139 = %scan3A_86) -> (vector<16xf32>, vector<16xf32>, vector<16xf32>, vector<16xf32>, vector<16xf32>, vector<16xf32>, vector<16xf32>, vector<16xf32>)  : i32 {
        %mul3A_140 = arith.constant 4 : i32
        %mul3A_141 = arith.muli %scan3A_131, %mul3A_140 : i32
        %add3A_142 = arith.constant 0 : i32
        %add3A_143 = arith.addi %mul3A_141, %add3A_142 : i32
        %get3A = arith.index_cast %add3A_143 : i32 to index
        %get3A_144 = arith.constant 0 : index
        %get3A_145 = tpu.vector_load %arg4[%get3A, %get3A_144] {strides = array<i32>} : memref<400x128xf32, #tpu.memory_space<vmem>>, vector<1x16xf32>,
        %get3A_146 = vector.shape_cast %get3A_145 : vector<1x16xf32> to vector<16xf32>
        %add3A_147 = arith.addf %scan3A_132, %get3A_146 : vector<16xf32>
        %get3A_148 = arith.index_cast %add3A_143 : i32 to index
        %get3A_149 = arith.constant 16 : index
        %get3A_150 = tpu.vector_load %arg4[%get3A_148, %get3A_149] {strides = array<i32>} : memref<400x128xf32, #tpu.memory_space<vmem>>, vector<1x16xf32>,
        %get3A_151 = vector.shape_cast %get3A_150 : vector<1x16xf32> to vector<16xf32>
        %add3A_152 = arith.addf %scan3A_133, %get3A_151 : vector<16xf32>
        %get3A_153 = arith.index_cast %add3A_143 : i32 to index
        %get3A_154 = arith.constant 32 : index
        %get3A_155 = tpu.vector_load %arg4[%get3A_153, %get3A_154] {strides = array<i32>} : memref<400x128xf32, #tpu.memory_space<vmem>>, vector<1x16xf32>,
        %get3A_156 = vector.shape_cast %get3A_155 : vector<1x16xf32> to vector<16xf32>
        %add3A_157 = arith.addf %scan3A_134, %get3A_156 : vector<16xf32>
        %get3A_158 = arith.index_cast %add3A_143 : i32 to index
        %get3A_159 = arith.constant 48 : index
        %get3A_160 = tpu.vector_load %arg4[%get3A_158, %get3A_159] {strides = array<i32>} : memref<400x128xf32, #tpu.memory_space<vmem>>, vector<1x16xf32>,
        %get3A_161 = vector.shape_cast %get3A_160 : vector<1x16xf32> to vector<16xf32>
        %add3A_162 = arith.addf %scan3A_135, %get3A_161 : vector<16xf32>
        %get3A_163 = arith.index_cast %add3A_143 : i32 to index
        %get3A_164 = arith.constant 64 : index
        %get3A_165 = tpu.vector_load %arg4[%get3A_163, %get3A_164] {strides = array<i32>} : memref<400x128xf32, #tpu.memory_space<vmem>>, vector<1x16xf32>,
        %get3A_166 = vector.shape_cast %get3A_165 : vector<1x16xf32> to vector<16xf32>
        %add3A_167 = arith.addf %scan3A_136, %get3A_166 : vector<16xf32>
        %get3A_168 = arith.index_cast %add3A_143 : i32 to index
        %get3A_169 = arith.constant 80 : index
        %get3A_170 = tpu.vector_load %arg4[%get3A_168, %get3A_169] {strides = array<i32>} : memref<400x128xf32, #tpu.memory_space<vmem>>, vector<1x16xf32>,
        %get3A_171 = vector.shape_cast %get3A_170 : vector<1x16xf32> to vector<16xf32>
        %add3A_172 = arith.addf %scan3A_137, %get3A_171 : vector<16xf32>
        %get3A_173 = arith.index_cast %add3A_143 : i32 to index
        %get3A_174 = arith.constant 96 : index
        %get3A_175 = tpu.vector_load %arg4[%get3A_173, %get3A_174] {strides = array<i32>} : memref<400x128xf32, #tpu.memory_space<vmem>>, vector<1x16xf32>,
        %get3A_176 = vector.shape_cast %get3A_175 : vector<1x16xf32> to vector<16xf32>
        %add3A_177 = arith.addf %scan3A_138, %get3A_176 : vector<16xf32>
        %get3A_178 = arith.index_cast %add3A_143 : i32 to index
        %get3A_179 = arith.constant 112 : index
        %get3A_180 = tpu.vector_load %arg4[%get3A_178, %get3A_179] {strides = array<i32>} : memref<400x128xf32, #tpu.memory_space<vmem>>, vector<1x16xf32>,
        %get3A_181 = vector.shape_cast %get3A_180 : vector<1x16xf32> to vector<16xf32>
        %add3A_182 = arith.addf %scan3A_139, %get3A_181 : vector<16xf32>
        %mul3A_183 = arith.constant 4 : i32
        %mul3A_184 = arith.muli %scan3A_131, %mul3A_183 : i32
        %add3A_185 = arith.constant 1 : i32
        %add3A_186 = arith.addi %mul3A_184, %add3A_185 : i32
        %get3A_187 = arith.index_cast %add3A_186 : i32 to index
        %get3A_188 = arith.constant 0 : index
        %get3A_189 = tpu.vector_load %arg4[%get3A_187, %get3A_188] {strides = array<i32>} : memref<400x128xf32, #tpu.memory_space<vmem>>, vector<1x16xf32>,
        %get3A_190 = vector.shape_cast %get3A_189 : vector<1x16xf32> to vector<16xf32>
        %add3A_191 = arith.addf %add3A_147, %get3A_190 : vector<16xf32>
        %get3A_192 = arith.index_cast %add3A_186 : i32 to index
        %get3A_193 = arith.constant 16 : index
        %get3A_194 = tpu.vector_load %arg4[%get3A_192, %get3A_193] {strides = array<i32>} : memref<400x128xf32, #tpu.memory_space<vmem>>, vector<1x16xf32>,
        %get3A_195 = vector.shape_cast %get3A_194 : vector<1x16xf32> to vector<16xf32>
        %add3A_196 = arith.addf %add3A_152, %get3A_195 : vector<16xf32>
        %get3A_197 = arith.index_cast %add3A_186 : i32 to index
        %get3A_198 = arith.constant 32 : index
        %get3A_199 = tpu.vector_load %arg4[%get3A_197, %get3A_198] {strides = array<i32>} : memref<400x128xf32, #tpu.memory_space<vmem>>, vector<1x16xf32>,
        %get3A_200 = vector.shape_cast %get3A_199 : vector<1x16xf32> to vector<16xf32>
        %add3A_201 = arith.addf %add3A_157, %get3A_200 : vector<16xf32>
        %get3A_202 = arith.index_cast %add3A_186 : i32 to index
        %get3A_203 = arith.constant 48 : index
        %get3A_204 = tpu.vector_load %arg4[%get3A_202, %get3A_203] {strides = array<i32>} : memref<400x128xf32, #tpu.memory_space<vmem>>, vector<1x16xf32>,
        %get3A_205 = vector.shape_cast %get3A_204 : vector<1x16xf32> to vector<16xf32>
        %add3A_206 = arith.addf %add3A_162, %get3A_205 : vector<16xf32>
        %get3A_207 = arith.index_cast %add3A_186 : i32 to index
        %get3A_208 = arith.constant 64 : index
        %get3A_209 = tpu.vector_load %arg4[%get3A_207, %get3A_208] {strides = array<i32>} : memref<400x128xf32, #tpu.memory_space<vmem>>, vector<1x16xf32>,
        %get3A_210 = vector.shape_cast %get3A_209 : vector<1x16xf32> to vector<16xf32>
        %add3A_211 = arith.addf %add3A_167, %get3A_210 : vector<16xf32>
        %get3A_212 = arith.index_cast %add3A_186 : i32 to index
        %get3A_213 = arith.constant 80 : index
        %get3A_214 = tpu.vector_load %arg4[%get3A_212, %get3A_213] {strides = array<i32>} : memref<400x128xf32, #tpu.memory_space<vmem>>, vector<1x16xf32>,
        %get3A_215 = vector.shape_cast %get3A_214 : vector<1x16xf32> to vector<16xf32>
        %add3A_216 = arith.addf %add3A_172, %get3A_215 : vector<16xf32>
        %get3A_217 = arith.index_cast %add3A_186 : i32 to index
        %get3A_218 = arith.constant 96 : index
        %get3A_219 = tpu.vector_load %arg4[%get3A_217, %get3A_218] {strides = array<i32>} : memref<400x128xf32, #tpu.memory_space<vmem>>, vector<1x16xf32>,
        %get3A_220 = vector.shape_cast %get3A_219 : vector<1x16xf32> to vector<16xf32>
        %add3A_221 = arith.addf %add3A_177, %get3A_220 : vector<16xf32>
        %get3A_222 = arith.index_cast %add3A_186 : i32 to index
        %get3A_223 = arith.constant 112 : index
        %get3A_224 = tpu.vector_load %arg4[%get3A_222, %get3A_223] {strides = array<i32>} : memref<400x128xf32, #tpu.memory_space<vmem>>, vector<1x16xf32>,
        %get3A_225 = vector.shape_cast %get3A_224 : vector<1x16xf32> to vector<16xf32>
        %add3A_226 = arith.addf %add3A_182, %get3A_225 : vector<16xf32>
        %mul3A_227 = arith.constant 4 : i32
        %mul3A_228 = arith.muli %scan3A_131, %mul3A_227 : i32
        %add3A_229 = arith.constant 2 : i32
        %add3A_230 = arith.addi %mul3A_228, %add3A_229 : i32
        %get3A_231 = arith.index_cast %add3A_230 : i32 to index
        %get3A_232 = arith.constant 0 : index
        %get3A_233 = tpu.vector_load %arg4[%get3A_231, %get3A_232] {strides = array<i32>} : memref<400x128xf32, #tpu.memory_space<vmem>>, vector<1x16xf32>,
        %get3A_234 = vector.shape_cast %get3A_233 : vector<1x16xf32> to vector<16xf32>
        %add3A_235 = arith.addf %add3A_191, %get3A_234 : vector<16xf32>
        %get3A_236 = arith.index_cast %add3A_230 : i32 to index
        %get3A_237 = arith.constant 16 : index
        %get3A_238 = tpu.vector_load %arg4[%get3A_236, %get3A_237] {strides = array<i32>} : memref<400x128xf32, #tpu.memory_space<vmem>>, vector<1x16xf32>,
        %get3A_239 = vector.shape_cast %get3A_238 : vector<1x16xf32> to vector<16xf32>
        %add3A_240 = arith.addf %add3A_196, %get3A_239 : vector<16xf32>
        %get3A_241 = arith.index_cast %add3A_230 : i32 to index
        %get3A_242 = arith.constant 32 : index
        %get3A_243 = tpu.vector_load %arg4[%get3A_241, %get3A_242] {strides = array<i32>} : memref<400x128xf32, #tpu.memory_space<vmem>>, vector<1x16xf32>,
        %get3A_244 = vector.shape_cast %get3A_243 : vector<1x16xf32> to vector<16xf32>
        %add3A_245 = arith.addf %add3A_201, %get3A_244 : vector<16xf32>
        %get3A_246 = arith.index_cast %add3A_230 : i32 to index
        %get3A_247 = arith.constant 48 : index
        %get3A_248 = tpu.vector_load %arg4[%get3A_246, %get3A_247] {strides = array<i32>} : memref<400x128xf32, #tpu.memory_space<vmem>>, vector<1x16xf32>,
        %get3A_249 = vector.shape_cast %get3A_248 : vector<1x16xf32> to vector<16xf32>
        %add3A_250 = arith.addf %add3A_206, %get3A_249 : vector<16xf32>
        %get3A_251 = arith.index_cast %add3A_230 : i32 to index
        %get3A_252 = arith.constant 64 : index
        %get3A_253 = tpu.vector_load %arg4[%get3A_251, %get3A_252] {strides = array<i32>} : memref<400x128xf32, #tpu.memory_space<vmem>>, vector<1x16xf32>,
        %get3A_254 = vector.shape_cast %get3A_253 : vector<1x16xf32> to vector<16xf32>
        %add3A_255 = arith.addf %add3A_211, %get3A_254 : vector<16xf32>
        %get3A_256 = arith.index_cast %add3A_230 : i32 to index
        %get3A_257 = arith.constant 80 : index
        %get3A_258 = tpu.vector_load %arg4[%get3A_256, %get3A_257] {strides = array<i32>} : memref<400x128xf32, #tpu.memory_space<vmem>>, vector<1x16xf32>,
        %get3A_259 = vector.shape_cast %get3A_258 : vector<1x16xf32> to vector<16xf32>
        %add3A_260 = arith.addf %add3A_216, %get3A_259 : vector<16xf32>
        %get3A_261 = arith.index_cast %add3A_230 : i32 to index
        %get3A_262 = arith.constant 96 : index
        %get3A_263 = tpu.vector_load %arg4[%get3A_261, %get3A_262] {strides = array<i32>} : memref<400x128xf32, #tpu.memory_space<vmem>>, vector<1x16xf32>,
        %get3A_264 = vector.shape_cast %get3A_263 : vector<1x16xf32> to vector<16xf32>
        %add3A_265 = arith.addf %add3A_221, %get3A_264 : vector<16xf32>
        %get3A_266 = arith.index_cast %add3A_230 : i32 to index
        %get3A_267 = arith.constant 112 : index
        %get3A_268 = tpu.vector_load %arg4[%get3A_266, %get3A_267] {strides = array<i32>} : memref<400x128xf32, #tpu.memory_space<vmem>>, vector<1x16xf32>,
        %get3A_269 = vector.shape_cast %get3A_268 : vector<1x16xf32> to vector<16xf32>
        %add3A_270 = arith.addf %add3A_226, %get3A_269 : vector<16xf32>
        %mul3A_271 = arith.constant 4 : i32
        %mul3A_272 = arith.muli %scan3A_131, %mul3A_271 : i32
        %add3A_273 = arith.constant 3 : i32
        %add3A_274 = arith.addi %mul3A_272, %add3A_273 : i32
        %get3A_275 = arith.index_cast %add3A_274 : i32 to index
        %get3A_276 = arith.constant 0 : index
        %get3A_277 = tpu.vector_load %arg4[%get3A_275, %get3A_276] {strides = array<i32>} : memref<400x128xf32, #tpu.memory_space<vmem>>, vector<1x16xf32>,
        %get3A_278 = vector.shape_cast %get3A_277 : vector<1x16xf32> to vector<16xf32>
        %add3A_279 = arith.addf %add3A_235, %get3A_278 : vector<16xf32>
        %get3A_280 = arith.index_cast %add3A_274 : i32 to index
        %get3A_281 = arith.constant 16 : index
        %get3A_282 = tpu.vector_load %arg4[%get3A_280, %get3A_281] {strides = array<i32>} : memref<400x128xf32, #tpu.memory_space<vmem>>, vector<1x16xf32>,
        %get3A_283 = vector.shape_cast %get3A_282 : vector<1x16xf32> to vector<16xf32>
        %add3A_284 = arith.addf %add3A_240, %get3A_283 : vector<16xf32>
        %get3A_285 = arith.index_cast %add3A_274 : i32 to index
        %get3A_286 = arith.constant 32 : index
        %get3A_287 = tpu.vector_load %arg4[%get3A_285, %get3A_286] {strides = array<i32>} : memref<400x128xf32, #tpu.memory_space<vmem>>, vector<1x16xf32>,
        %get3A_288 = vector.shape_cast %get3A_287 : vector<1x16xf32> to vector<16xf32>
        %add3A_289 = arith.addf %add3A_245, %get3A_288 : vector<16xf32>
        %get3A_290 = arith.index_cast %add3A_274 : i32 to index
        %get3A_291 = arith.constant 48 : index
        %get3A_292 = tpu.vector_load %arg4[%get3A_290, %get3A_291] {strides = array<i32>} : memref<400x128xf32, #tpu.memory_space<vmem>>, vector<1x16xf32>,
        %get3A_293 = vector.shape_cast %get3A_292 : vector<1x16xf32> to vector<16xf32>
        %add3A_294 = arith.addf %add3A_250, %get3A_293 : vector<16xf32>
        %get3A_295 = arith.index_cast %add3A_274 : i32 to index
        %get3A_296 = arith.constant 64 : index
        %get3A_297 = tpu.vector_load %arg4[%get3A_295, %get3A_296] {strides = array<i32>} : memref<400x128xf32, #tpu.memory_space<vmem>>, vector<1x16xf32>,
        %get3A_298 = vector.shape_cast %get3A_297 : vector<1x16xf32> to vector<16xf32>
        %add3A_299 = arith.addf %add3A_255, %get3A_298 : vector<16xf32>
        %get3A_300 = arith.index_cast %add3A_274 : i32 to index
        %get3A_301 = arith.constant 80 : index
        %get3A_302 = tpu.vector_load %arg4[%get3A_300, %get3A_301] {strides = array<i32>} : memref<400x128xf32, #tpu.memory_space<vmem>>, vector<1x16xf32>,
        %get3A_303 = vector.shape_cast %get3A_302 : vector<1x16xf32> to vector<16xf32>
        %add3A_304 = arith.addf %add3A_260, %get3A_303 : vector<16xf32>
        %get3A_305 = arith.index_cast %add3A_274 : i32 to index
        %get3A_306 = arith.constant 96 : index
        %get3A_307 = tpu.vector_load %arg4[%get3A_305, %get3A_306] {strides = array<i32>} : memref<400x128xf32, #tpu.memory_space<vmem>>, vector<1x16xf32>,
        %get3A_308 = vector.shape_cast %get3A_307 : vector<1x16xf32> to vector<16xf32>
        %add3A_309 = arith.addf %add3A_265, %get3A_308 : vector<16xf32>
        %get3A_310 = arith.index_cast %add3A_274 : i32 to index
        %get3A_311 = arith.constant 112 : index
        %get3A_312 = tpu.vector_load %arg4[%get3A_310, %get3A_311] {strides = array<i32>} : memref<400x128xf32, #tpu.memory_space<vmem>>, vector<1x16xf32>,
        %get3A_313 = vector.shape_cast %get3A_312 : vector<1x16xf32> to vector<16xf32>
        %add3A_314 = arith.addf %add3A_270, %get3A_313 : vector<16xf32>
        scf.yield %add3A_279, %add3A_284, %add3A_289, %add3A_294, %add3A_299, %add3A_304, %add3A_309, %add3A_314 : vector<16xf32>, vector<16xf32>, vector<16xf32>, vector<16xf32>, vector<16xf32>, vector<16xf32>, vector<16xf32>, vector<16xf32>
      }
      %scan3A_96 = arith.constant 100 : i32
      %mul3A_97 = arith.constant 2 : i32
      %mul3A_98 = arith.muli %mul3A_97, %scan3A_78 : i32
      %add3A_99 = arith.constant 2 : i32
      %add3A_100 = arith.addi %mul3A_98, %add3A_99 : i32
      %mul3A_101 = arith.constant 400 : i32
      %mul3A_102 = arith.muli %add3A_100, %mul3A_101 : i32
      %add3A_103 = arith.addi %mul3A_0, %mul3A_102 : i32
      %min3A_104 = arith.minsi %add3A_103, %add3A_1 : i32
      %dma_start3A_105 = arith.constant 0 : i32
      %dma_start3A_106 = tpu.memref_slice %arg2[%min3A_104, %dma_start3A_105] : memref<160000x128xf32, #tpu.memory_space<hbm>> -> memref<400x128xf32, #tpu.memory_space<hbm>>
      %dma_start3A_107 = arith.constant 0 : i32
      %dma_start3A_108 = tpu.memref_slice %arg2[%min3A_104, %dma_start3A_107] : memref<160000x128xf32, #tpu.memory_space<hbm>> -> memref<400x128xf32, #tpu.memory_space<hbm>>
      tpu.enqueue_dma source(%dma_start3A_108 : memref<400x128xf32, #tpu.memory_space<hbm>>) target(%arg4 : memref<400x128xf32, #tpu.memory_space<vmem>>) target_semaphore(%arg7 : memref<!tpu.dma_semaphore, #tpu.memory_space<semaphore_mem>>)
      %dma_wait3A_109 = arith.constant 0 : i32
      %dma_wait3A_110 = tpu.memref_slice %arg2[%mul3A_0, %dma_wait3A_109] : memref<160000x128xf32, #tpu.memory_space<hbm>> -> memref<400x128xf32, #tpu.memory_space<hbm>>
      %dma_wait3A_111 = arith.constant 0 : i32
      %dma_wait3A_112 = tpu.memref_slice %arg2[%mul3A_0, %dma_wait3A_111] : memref<160000x128xf32, #tpu.memory_space<hbm>> -> memref<400x128xf32, #tpu.memory_space<hbm>>
      tpu.wait_dma2 semaphore(%arg8 : memref<!tpu.dma_semaphore, #tpu.memory_space<semaphore_mem>>) src(%dma_wait3A_112 : memref<400x128xf32, #tpu.memory_space<hbm>>) dst(%arg5 : memref<400x128xf32, #tpu.memory_space<vmem>>)
      %scan3A_113 = arith.constant 0 : i32
      %scan3A_114 = arith.constant 100 : i32
      %scan3A_115 = arith.addi %scan3A_113, %scan3A_114 : i32
      %scan3A_116 = arith.constant 1 : i32
      %scan3A_117:8 = scf.for %scan3A_131 = %scan3A_113 to %scan3A_115 step %scan3A_116 iter_args(%scan3A_132 = %scan3A_95#0, %scan3A_133 = %scan3A_95#1, %scan3A_134 = %scan3A_95#2, %scan3A_135 = %scan3A_95#3, %scan3A_136 = %scan3A_95#4, %scan3A_137 = %scan3A_95#5, %scan3A_138 = %scan3A_95#6, %scan3A_139 = %scan3A_95#7) -> (vector<16xf32>, vector<16xf32>, vector<16xf32>, vector<16xf32>, vector<16xf32>, vector<16xf32>, vector<16xf32>, vector<16xf32>)  : i32 {
        %mul3A_140 = arith.constant 4 : i32
        %mul3A_141 = arith.muli %scan3A_131, %mul3A_140 : i32
        %add3A_142 = arith.constant 0 : i32
        %add3A_143 = arith.addi %mul3A_141, %add3A_142 : i32
        %get3A = arith.index_cast %add3A_143 : i32 to index
        %get3A_144 = arith.constant 0 : index
        %get3A_145 = tpu.vector_load %arg5[%get3A, %get3A_144] {strides = array<i32>} : memref<400x128xf32, #tpu.memory_space<vmem>>, vector<1x16xf32>,
        %get3A_146 = vector.shape_cast %get3A_145 : vector<1x16xf32> to vector<16xf32>
        %add3A_147 = arith.addf %scan3A_132, %get3A_146 : vector<16xf32>
        %get3A_148 = arith.index_cast %add3A_143 : i32 to index
        %get3A_149 = arith.constant 16 : index
        %get3A_150 = tpu.vector_load %arg5[%get3A_148, %get3A_149] {strides = array<i32>} : memref<400x128xf32, #tpu.memory_space<vmem>>, vector<1x16xf32>,
        %get3A_151 = vector.shape_cast %get3A_150 : vector<1x16xf32> to vector<16xf32>
        %add3A_152 = arith.addf %scan3A_133, %get3A_151 : vector<16xf32>
        %get3A_153 = arith.index_cast %add3A_143 : i32 to index
        %get3A_154 = arith.constant 32 : index
        %get3A_155 = tpu.vector_load %arg5[%get3A_153, %get3A_154] {strides = array<i32>} : memref<400x128xf32, #tpu.memory_space<vmem>>, vector<1x16xf32>,
        %get3A_156 = vector.shape_cast %get3A_155 : vector<1x16xf32> to vector<16xf32>
        %add3A_157 = arith.addf %scan3A_134, %get3A_156 : vector<16xf32>
        %get3A_158 = arith.index_cast %add3A_143 : i32 to index
        %get3A_159 = arith.constant 48 : index
        %get3A_160 = tpu.vector_load %arg5[%get3A_158, %get3A_159] {strides = array<i32>} : memref<400x128xf32, #tpu.memory_space<vmem>>, vector<1x16xf32>,
        %get3A_161 = vector.shape_cast %get3A_160 : vector<1x16xf32> to vector<16xf32>
        %add3A_162 = arith.addf %scan3A_135, %get3A_161 : vector<16xf32>
        %get3A_163 = arith.index_cast %add3A_143 : i32 to index
        %get3A_164 = arith.constant 64 : index
        %get3A_165 = tpu.vector_load %arg5[%get3A_163, %get3A_164] {strides = array<i32>} : memref<400x128xf32, #tpu.memory_space<vmem>>, vector<1x16xf32>,
        %get3A_166 = vector.shape_cast %get3A_165 : vector<1x16xf32> to vector<16xf32>
        %add3A_167 = arith.addf %scan3A_136, %get3A_166 : vector<16xf32>
        %get3A_168 = arith.index_cast %add3A_143 : i32 to index
        %get3A_169 = arith.constant 80 : index
        %get3A_170 = tpu.vector_load %arg5[%get3A_168, %get3A_169] {strides = array<i32>} : memref<400x128xf32, #tpu.memory_space<vmem>>, vector<1x16xf32>,
        %get3A_171 = vector.shape_cast %get3A_170 : vector<1x16xf32> to vector<16xf32>
        %add3A_172 = arith.addf %scan3A_137, %get3A_171 : vector<16xf32>
        %get3A_173 = arith.index_cast %add3A_143 : i32 to index
        %get3A_174 = arith.constant 96 : index
        %get3A_175 = tpu.vector_load %arg5[%get3A_173, %get3A_174] {strides = array<i32>} : memref<400x128xf32, #tpu.memory_space<vmem>>, vector<1x16xf32>,
        %get3A_176 = vector.shape_cast %get3A_175 : vector<1x16xf32> to vector<16xf32>
        %add3A_177 = arith.addf %scan3A_138, %get3A_176 : vector<16xf32>
        %get3A_178 = arith.index_cast %add3A_143 : i32 to index
        %get3A_179 = arith.constant 112 : index
        %get3A_180 = tpu.vector_load %arg5[%get3A_178, %get3A_179] {strides = array<i32>} : memref<400x128xf32, #tpu.memory_space<vmem>>, vector<1x16xf32>,
        %get3A_181 = vector.shape_cast %get3A_180 : vector<1x16xf32> to vector<16xf32>
        %add3A_182 = arith.addf %scan3A_139, %get3A_181 : vector<16xf32>
        %mul3A_183 = arith.constant 4 : i32
        %mul3A_184 = arith.muli %scan3A_131, %mul3A_183 : i32
        %add3A_185 = arith.constant 1 : i32
        %add3A_186 = arith.addi %mul3A_184, %add3A_185 : i32
        %get3A_187 = arith.index_cast %add3A_186 : i32 to index
        %get3A_188 = arith.constant 0 : index
        %get3A_189 = tpu.vector_load %arg5[%get3A_187, %get3A_188] {strides = array<i32>} : memref<400x128xf32, #tpu.memory_space<vmem>>, vector<1x16xf32>,
        %get3A_190 = vector.shape_cast %get3A_189 : vector<1x16xf32> to vector<16xf32>
        %add3A_191 = arith.addf %add3A_147, %get3A_190 : vector<16xf32>
        %get3A_192 = arith.index_cast %add3A_186 : i32 to index
        %get3A_193 = arith.constant 16 : index
        %get3A_194 = tpu.vector_load %arg5[%get3A_192, %get3A_193] {strides = array<i32>} : memref<400x128xf32, #tpu.memory_space<vmem>>, vector<1x16xf32>,
        %get3A_195 = vector.shape_cast %get3A_194 : vector<1x16xf32> to vector<16xf32>
        %add3A_196 = arith.addf %add3A_152, %get3A_195 : vector<16xf32>
        %get3A_197 = arith.index_cast %add3A_186 : i32 to index
        %get3A_198 = arith.constant 32 : index
        %get3A_199 = tpu.vector_load %arg5[%get3A_197, %get3A_198] {strides = array<i32>} : memref<400x128xf32, #tpu.memory_space<vmem>>, vector<1x16xf32>,
        %get3A_200 = vector.shape_cast %get3A_199 : vector<1x16xf32> to vector<16xf32>
        %add3A_201 = arith.addf %add3A_157, %get3A_200 : vector<16xf32>
        %get3A_202 = arith.index_cast %add3A_186 : i32 to index
        %get3A_203 = arith.constant 48 : index
        %get3A_204 = tpu.vector_load %arg5[%get3A_202, %get3A_203] {strides = array<i32>} : memref<400x128xf32, #tpu.memory_space<vmem>>, vector<1x16xf32>,
        %get3A_205 = vector.shape_cast %get3A_204 : vector<1x16xf32> to vector<16xf32>
        %add3A_206 = arith.addf %add3A_162, %get3A_205 : vector<16xf32>
        %get3A_207 = arith.index_cast %add3A_186 : i32 to index
        %get3A_208 = arith.constant 64 : index
        %get3A_209 = tpu.vector_load %arg5[%get3A_207, %get3A_208] {strides = array<i32>} : memref<400x128xf32, #tpu.memory_space<vmem>>, vector<1x16xf32>,
        %get3A_210 = vector.shape_cast %get3A_209 : vector<1x16xf32> to vector<16xf32>
        %add3A_211 = arith.addf %add3A_167, %get3A_210 : vector<16xf32>
        %get3A_212 = arith.index_cast %add3A_186 : i32 to index
        %get3A_213 = arith.constant 80 : index
        %get3A_214 = tpu.vector_load %arg5[%get3A_212, %get3A_213] {strides = array<i32>} : memref<400x128xf32, #tpu.memory_space<vmem>>, vector<1x16xf32>,
        %get3A_215 = vector.shape_cast %get3A_214 : vector<1x16xf32> to vector<16xf32>
        %add3A_216 = arith.addf %add3A_172, %get3A_215 : vector<16xf32>
        %get3A_217 = arith.index_cast %add3A_186 : i32 to index
        %get3A_218 = arith.constant 96 : index
        %get3A_219 = tpu.vector_load %arg5[%get3A_217, %get3A_218] {strides = array<i32>} : memref<400x128xf32, #tpu.memory_space<vmem>>, vector<1x16xf32>,
        %get3A_220 = vector.shape_cast %get3A_219 : vector<1x16xf32> to vector<16xf32>
        %add3A_221 = arith.addf %add3A_177, %get3A_220 : vector<16xf32>
        %get3A_222 = arith.index_cast %add3A_186 : i32 to index
        %get3A_223 = arith.constant 112 : index
        %get3A_224 = tpu.vector_load %arg5[%get3A_222, %get3A_223] {strides = array<i32>} : memref<400x128xf32, #tpu.memory_space<vmem>>, vector<1x16xf32>,
        %get3A_225 = vector.shape_cast %get3A_224 : vector<1x16xf32> to vector<16xf32>
        %add3A_226 = arith.addf %add3A_182, %get3A_225 : vector<16xf32>
        %mul3A_227 = arith.constant 4 : i32
        %mul3A_228 = arith.muli %scan3A_131, %mul3A_227 : i32
        %add3A_229 = arith.constant 2 : i32
        %add3A_230 = arith.addi %mul3A_228, %add3A_229 : i32
        %get3A_231 = arith.index_cast %add3A_230 : i32 to index
        %get3A_232 = arith.constant 0 : index
        %get3A_233 = tpu.vector_load %arg5[%get3A_231, %get3A_232] {strides = array<i32>} : memref<400x128xf32, #tpu.memory_space<vmem>>, vector<1x16xf32>,
        %get3A_234 = vector.shape_cast %get3A_233 : vector<1x16xf32> to vector<16xf32>
        %add3A_235 = arith.addf %add3A_191, %get3A_234 : vector<16xf32>
        %get3A_236 = arith.index_cast %add3A_230 : i32 to index
        %get3A_237 = arith.constant 16 : index
        %get3A_238 = tpu.vector_load %arg5[%get3A_236, %get3A_237] {strides = array<i32>} : memref<400x128xf32, #tpu.memory_space<vmem>>, vector<1x16xf32>,
        %get3A_239 = vector.shape_cast %get3A_238 : vector<1x16xf32> to vector<16xf32>
        %add3A_240 = arith.addf %add3A_196, %get3A_239 : vector<16xf32>
        %get3A_241 = arith.index_cast %add3A_230 : i32 to index
        %get3A_242 = arith.constant 32 : index
        %get3A_243 = tpu.vector_load %arg5[%get3A_241, %get3A_242] {strides = array<i32>} : memref<400x128xf32, #tpu.memory_space<vmem>>, vector<1x16xf32>,
        %get3A_244 = vector.shape_cast %get3A_243 : vector<1x16xf32> to vector<16xf32>
        %add3A_245 = arith.addf %add3A_201, %get3A_244 : vector<16xf32>
        %get3A_246 = arith.index_cast %add3A_230 : i32 to index
        %get3A_247 = arith.constant 48 : index
        %get3A_248 = tpu.vector_load %arg5[%get3A_246, %get3A_247] {strides = array<i32>} : memref<400x128xf32, #tpu.memory_space<vmem>>, vector<1x16xf32>,
        %get3A_249 = vector.shape_cast %get3A_248 : vector<1x16xf32> to vector<16xf32>
        %add3A_250 = arith.addf %add3A_206, %get3A_249 : vector<16xf32>
        %get3A_251 = arith.index_cast %add3A_230 : i32 to index
        %get3A_252 = arith.constant 64 : index
        %get3A_253 = tpu.vector_load %arg5[%get3A_251, %get3A_252] {strides = array<i32>} : memref<400x128xf32, #tpu.memory_space<vmem>>, vector<1x16xf32>,
        %get3A_254 = vector.shape_cast %get3A_253 : vector<1x16xf32> to vector<16xf32>
        %add3A_255 = arith.addf %add3A_211, %get3A_254 : vector<16xf32>
        %get3A_256 = arith.index_cast %add3A_230 : i32 to index
        %get3A_257 = arith.constant 80 : index
        %get3A_258 = tpu.vector_load %arg5[%get3A_256, %get3A_257] {strides = array<i32>} : memref<400x128xf32, #tpu.memory_space<vmem>>, vector<1x16xf32>,
        %get3A_259 = vector.shape_cast %get3A_258 : vector<1x16xf32> to vector<16xf32>
        %add3A_260 = arith.addf %add3A_216, %get3A_259 : vector<16xf32>
        %get3A_261 = arith.index_cast %add3A_230 : i32 to index
        %get3A_262 = arith.constant 96 : index
        %get3A_263 = tpu.vector_load %arg5[%get3A_261, %get3A_262] {strides = array<i32>} : memref<400x128xf32, #tpu.memory_space<vmem>>, vector<1x16xf32>,
        %get3A_264 = vector.shape_cast %get3A_263 : vector<1x16xf32> to vector<16xf32>
        %add3A_265 = arith.addf %add3A_221, %get3A_264 : vector<16xf32>
        %get3A_266 = arith.index_cast %add3A_230 : i32 to index
        %get3A_267 = arith.constant 112 : index
        %get3A_268 = tpu.vector_load %arg5[%get3A_266, %get3A_267] {strides = array<i32>} : memref<400x128xf32, #tpu.memory_space<vmem>>, vector<1x16xf32>,
        %get3A_269 = vector.shape_cast %get3A_268 : vector<1x16xf32> to vector<16xf32>
        %add3A_270 = arith.addf %add3A_226, %get3A_269 : vector<16xf32>
        %mul3A_271 = arith.constant 4 : i32
        %mul3A_272 = arith.muli %scan3A_131, %mul3A_271 : i32
        %add3A_273 = arith.constant 3 : i32
        %add3A_274 = arith.addi %mul3A_272, %add3A_273 : i32
        %get3A_275 = arith.index_cast %add3A_274 : i32 to index
        %get3A_276 = arith.constant 0 : index
        %get3A_277 = tpu.vector_load %arg5[%get3A_275, %get3A_276] {strides = array<i32>} : memref<400x128xf32, #tpu.memory_space<vmem>>, vector<1x16xf32>,
        %get3A_278 = vector.shape_cast %get3A_277 : vector<1x16xf32> to vector<16xf32>
        %add3A_279 = arith.addf %add3A_235, %get3A_278 : vector<16xf32>
        %get3A_280 = arith.index_cast %add3A_274 : i32 to index
        %get3A_281 = arith.constant 16 : index
        %get3A_282 = tpu.vector_load %arg5[%get3A_280, %get3A_281] {strides = array<i32>} : memref<400x128xf32, #tpu.memory_space<vmem>>, vector<1x16xf32>,
        %get3A_283 = vector.shape_cast %get3A_282 : vector<1x16xf32> to vector<16xf32>
        %add3A_284 = arith.addf %add3A_240, %get3A_283 : vector<16xf32>
        %get3A_285 = arith.index_cast %add3A_274 : i32 to index
        %get3A_286 = arith.constant 32 : index
        %get3A_287 = tpu.vector_load %arg5[%get3A_285, %get3A_286] {strides = array<i32>} : memref<400x128xf32, #tpu.memory_space<vmem>>, vector<1x16xf32>,
        %get3A_288 = vector.shape_cast %get3A_287 : vector<1x16xf32> to vector<16xf32>
        %add3A_289 = arith.addf %add3A_245, %get3A_288 : vector<16xf32>
        %get3A_290 = arith.index_cast %add3A_274 : i32 to index
        %get3A_291 = arith.constant 48 : index
        %get3A_292 = tpu.vector_load %arg5[%get3A_290, %get3A_291] {strides = array<i32>} : memref<400x128xf32, #tpu.memory_space<vmem>>, vector<1x16xf32>,
        %get3A_293 = vector.shape_cast %get3A_292 : vector<1x16xf32> to vector<16xf32>
        %add3A_294 = arith.addf %add3A_250, %get3A_293 : vector<16xf32>
        %get3A_295 = arith.index_cast %add3A_274 : i32 to index
        %get3A_296 = arith.constant 64 : index
        %get3A_297 = tpu.vector_load %arg5[%get3A_295, %get3A_296] {strides = array<i32>} : memref<400x128xf32, #tpu.memory_space<vmem>>, vector<1x16xf32>,
        %get3A_298 = vector.shape_cast %get3A_297 : vector<1x16xf32> to vector<16xf32>
        %add3A_299 = arith.addf %add3A_255, %get3A_298 : vector<16xf32>
        %get3A_300 = arith.index_cast %add3A_274 : i32 to index
        %get3A_301 = arith.constant 80 : index
        %get3A_302 = tpu.vector_load %arg5[%get3A_300, %get3A_301] {strides = array<i32>} : memref<400x128xf32, #tpu.memory_space<vmem>>, vector<1x16xf32>,
        %get3A_303 = vector.shape_cast %get3A_302 : vector<1x16xf32> to vector<16xf32>
        %add3A_304 = arith.addf %add3A_260, %get3A_303 : vector<16xf32>
        %get3A_305 = arith.index_cast %add3A_274 : i32 to index
        %get3A_306 = arith.constant 96 : index
        %get3A_307 = tpu.vector_load %arg5[%get3A_305, %get3A_306] {strides = array<i32>} : memref<400x128xf32, #tpu.memory_space<vmem>>, vector<1x16xf32>,
        %get3A_308 = vector.shape_cast %get3A_307 : vector<1x16xf32> to vector<16xf32>
        %add3A_309 = arith.addf %add3A_265, %get3A_308 : vector<16xf32>
        %get3A_310 = arith.index_cast %add3A_274 : i32 to index
        %get3A_311 = arith.constant 112 : index
        %get3A_312 = tpu.vector_load %arg5[%get3A_310, %get3A_311] {strides = array<i32>} : memref<400x128xf32, #tpu.memory_space<vmem>>, vector<1x16xf32>,
        %get3A_313 = vector.shape_cast %get3A_312 : vector<1x16xf32> to vector<16xf32>
        %add3A_314 = arith.addf %add3A_270, %get3A_313 : vector<16xf32>
        scf.yield %add3A_279, %add3A_284, %add3A_289, %add3A_294, %add3A_299, %add3A_304, %add3A_309, %add3A_314 : vector<16xf32>, vector<16xf32>, vector<16xf32>, vector<16xf32>, vector<16xf32>, vector<16xf32>, vector<16xf32>, vector<16xf32>
      }
      %scan3A_118 = arith.constant 100 : i32
      %mul3A_119 = arith.constant 2 : i32
      %mul3A_120 = arith.muli %mul3A_119, %scan3A_78 : i32
      %add3A_121 = arith.constant 3 : i32
      %add3A_122 = arith.addi %mul3A_120, %add3A_121 : i32
      %mul3A_123 = arith.constant 400 : i32
      %mul3A_124 = arith.muli %add3A_122, %mul3A_123 : i32
      %add3A_125 = arith.addi %mul3A_0, %mul3A_124 : i32
      %min3A_126 = arith.minsi %add3A_125, %add3A_1 : i32
      %dma_start3A_127 = arith.constant 0 : i32
      %dma_start3A_128 = tpu.memref_slice %arg2[%min3A_126, %dma_start3A_127] : memref<160000x128xf32, #tpu.memory_space<hbm>> -> memref<400x128xf32, #tpu.memory_space<hbm>>
      %dma_start3A_129 = arith.constant 0 : i32
      %dma_start3A_130 = tpu.memref_slice %arg2[%min3A_126, %dma_start3A_129] : memref<160000x128xf32, #tpu.memory_space<hbm>> -> memref<400x128xf32, #tpu.memory_space<hbm>>
      tpu.enqueue_dma source(%dma_start3A_130 : memref<400x128xf32, #tpu.memory_space<hbm>>) target(%arg5 : memref<400x128xf32, #tpu.memory_space<vmem>>) target_semaphore(%arg8 : memref<!tpu.dma_semaphore, #tpu.memory_space<semaphore_mem>>)
      scf.yield %scan3A_117#0, %scan3A_117#1, %scan3A_117#2, %scan3A_117#3, %scan3A_117#4, %scan3A_117#5, %scan3A_117#6, %scan3A_117#7 : vector<16xf32>, vector<16xf32>, vector<16xf32>, vector<16xf32>, vector<16xf32>, vector<16xf32>, vector<16xf32>, vector<16xf32>
    }
    %scan3A_33 = arith.constant 2 : i32
    %dma_wait3A = arith.constant 0 : i32
    %dma_wait3A_34 = tpu.memref_slice %arg2[%mul3A_0, %dma_wait3A] : memref<160000x128xf32, #tpu.memory_space<hbm>> -> memref<400x128xf32, #tpu.memory_space<hbm>>
    %dma_wait3A_35 = arith.constant 0 : i32
    %dma_wait3A_36 = tpu.memref_slice %arg2[%mul3A_0, %dma_wait3A_35] : memref<160000x128xf32, #tpu.memory_space<hbm>> -> memref<400x128xf32, #tpu.memory_space<hbm>>
    tpu.wait_dma2 semaphore(%arg7 : memref<!tpu.dma_semaphore, #tpu.memory_space<semaphore_mem>>) src(%dma_wait3A_36 : memref<400x128xf32, #tpu.memory_space<hbm>>) dst(%arg4 : memref<400x128xf32, #tpu.memory_space<vmem>>)
    %scan3A_37 = arith.constant 0 : i32
    %scan3A_38 = arith.constant 100 : i32
    %scan3A_39 = arith.addi %scan3A_37, %scan3A_38 : i32
    %scan3A_40 = arith.constant 1 : i32
    %scan3A_41:8 = scf.for %scan3A_78 = %scan3A_37 to %scan3A_39 step %scan3A_40 iter_args(%scan3A_79 = %scan3A_32#0, %scan3A_80 = %scan3A_32#1, %scan3A_81 = %scan3A_32#2, %scan3A_82 = %scan3A_32#3, %scan3A_83 = %scan3A_32#4, %scan3A_84 = %scan3A_32#5, %scan3A_85 = %scan3A_32#6, %scan3A_86 = %scan3A_32#7) -> (vector<16xf32>, vector<16xf32>, vector<16xf32>, vector<16xf32>, vector<16xf32>, vector<16xf32>, vector<16xf32>, vector<16xf32>)  : i32 {
      %mul3A_87 = arith.constant 4 : i32
      %mul3A_88 = arith.muli %scan3A_78, %mul3A_87 : i32
      %add3A_89 = arith.constant 0 : i32
      %add3A_90 = arith.addi %mul3A_88, %add3A_89 : i32
      %get3A = arith.index_cast %add3A_90 : i32 to index
      %get3A_91 = arith.constant 0 : index
      %get3A_92 = tpu.vector_load %arg4[%get3A, %get3A_91] {strides = array<i32>} : memref<400x128xf32, #tpu.memory_space<vmem>>, vector<1x16xf32>,
      %get3A_93 = vector.shape_cast %get3A_92 : vector<1x16xf32> to vector<16xf32>
      %add3A_94 = arith.addf %scan3A_79, %get3A_93 : vector<16xf32>
      %get3A_95 = arith.index_cast %add3A_90 : i32 to index
      %get3A_96 = arith.constant 16 : index
      %get3A_97 = tpu.vector_load %arg4[%get3A_95, %get3A_96] {strides = array<i32>} : memref<400x128xf32, #tpu.memory_space<vmem>>, vector<1x16xf32>,
      %get3A_98 = vector.shape_cast %get3A_97 : vector<1x16xf32> to vector<16xf32>
      %add3A_99 = arith.addf %scan3A_80, %get3A_98 : vector<16xf32>
      %get3A_100 = arith.index_cast %add3A_90 : i32 to index
      %get3A_101 = arith.constant 32 : index
      %get3A_102 = tpu.vector_load %arg4[%get3A_100, %get3A_101] {strides = array<i32>} : memref<400x128xf32, #tpu.memory_space<vmem>>, vector<1x16xf32>,
      %get3A_103 = vector.shape_cast %get3A_102 : vector<1x16xf32> to vector<16xf32>
      %add3A_104 = arith.addf %scan3A_81, %get3A_103 : vector<16xf32>
      %get3A_105 = arith.index_cast %add3A_90 : i32 to index
      %get3A_106 = arith.constant 48 : index
      %get3A_107 = tpu.vector_load %arg4[%get3A_105, %get3A_106] {strides = array<i32>} : memref<400x128xf32, #tpu.memory_space<vmem>>, vector<1x16xf32>,
      %get3A_108 = vector.shape_cast %get3A_107 : vector<1x16xf32> to vector<16xf32>
      %add3A_109 = arith.addf %scan3A_82, %get3A_108 : vector<16xf32>
      %get3A_110 = arith.index_cast %add3A_90 : i32 to index
      %get3A_111 = arith.constant 64 : index
      %get3A_112 = tpu.vector_load %arg4[%get3A_110, %get3A_111] {strides = array<i32>} : memref<400x128xf32, #tpu.memory_space<vmem>>, vector<1x16xf32>,
      %get3A_113 = vector.shape_cast %get3A_112 : vector<1x16xf32> to vector<16xf32>
      %add3A_114 = arith.addf %scan3A_83, %get3A_113 : vector<16xf32>
      %get3A_115 = arith.index_cast %add3A_90 : i32 to index
      %get3A_116 = arith.constant 80 : index
      %get3A_117 = tpu.vector_load %arg4[%get3A_115, %get3A_116] {strides = array<i32>} : memref<400x128xf32, #tpu.memory_space<vmem>>, vector<1x16xf32>,
      %get3A_118 = vector.shape_cast %get3A_117 : vector<1x16xf32> to vector<16xf32>
      %add3A_119 = arith.addf %scan3A_84, %get3A_118 : vector<16xf32>
      %get3A_120 = arith.index_cast %add3A_90 : i32 to index
      %get3A_121 = arith.constant 96 : index
      %get3A_122 = tpu.vector_load %arg4[%get3A_120, %get3A_121] {strides = array<i32>} : memref<400x128xf32, #tpu.memory_space<vmem>>, vector<1x16xf32>,
      %get3A_123 = vector.shape_cast %get3A_122 : vector<1x16xf32> to vector<16xf32>
      %add3A_124 = arith.addf %scan3A_85, %get3A_123 : vector<16xf32>
      %get3A_125 = arith.index_cast %add3A_90 : i32 to index
      %get3A_126 = arith.constant 112 : index
      %get3A_127 = tpu.vector_load %arg4[%get3A_125, %get3A_126] {strides = array<i32>} : memref<400x128xf32, #tpu.memory_space<vmem>>, vector<1x16xf32>,
      %get3A_128 = vector.shape_cast %get3A_127 : vector<1x16xf32> to vector<16xf32>
      %add3A_129 = arith.addf %scan3A_86, %get3A_128 : vector<16xf32>
      %mul3A_130 = arith.constant 4 : i32
      %mul3A_131 = arith.muli %scan3A_78, %mul3A_130 : i32
      %add3A_132 = arith.constant 1 : i32
      %add3A_133 = arith.addi %mul3A_131, %add3A_132 : i32
      %get3A_134 = arith.index_cast %add3A_133 : i32 to index
      %get3A_135 = arith.constant 0 : index
      %get3A_136 = tpu.vector_load %arg4[%get3A_134, %get3A_135] {strides = array<i32>} : memref<400x128xf32, #tpu.memory_space<vmem>>, vector<1x16xf32>,
      %get3A_137 = vector.shape_cast %get3A_136 : vector<1x16xf32> to vector<16xf32>
      %add3A_138 = arith.addf %add3A_94, %get3A_137 : vector<16xf32>
      %get3A_139 = arith.index_cast %add3A_133 : i32 to index
      %get3A_140 = arith.constant 16 : index
      %get3A_141 = tpu.vector_load %arg4[%get3A_139, %get3A_140] {strides = array<i32>} : memref<400x128xf32, #tpu.memory_space<vmem>>, vector<1x16xf32>,
      %get3A_142 = vector.shape_cast %get3A_141 : vector<1x16xf32> to vector<16xf32>
      %add3A_143 = arith.addf %add3A_99, %get3A_142 : vector<16xf32>
      %get3A_144 = arith.index_cast %add3A_133 : i32 to index
      %get3A_145 = arith.constant 32 : index
      %get3A_146 = tpu.vector_load %arg4[%get3A_144, %get3A_145] {strides = array<i32>} : memref<400x128xf32, #tpu.memory_space<vmem>>, vector<1x16xf32>,
      %get3A_147 = vector.shape_cast %get3A_146 : vector<1x16xf32> to vector<16xf32>
      %add3A_148 = arith.addf %add3A_104, %get3A_147 : vector<16xf32>
      %get3A_149 = arith.index_cast %add3A_133 : i32 to index
      %get3A_150 = arith.constant 48 : index
      %get3A_151 = tpu.vector_load %arg4[%get3A_149, %get3A_150] {strides = array<i32>} : memref<400x128xf32, #tpu.memory_space<vmem>>, vector<1x16xf32>,
      %get3A_152 = vector.shape_cast %get3A_151 : vector<1x16xf32> to vector<16xf32>
      %add3A_153 = arith.addf %add3A_109, %get3A_152 : vector<16xf32>
      %get3A_154 = arith.index_cast %add3A_133 : i32 to index
      %get3A_155 = arith.constant 64 : index
      %get3A_156 = tpu.vector_load %arg4[%get3A_154, %get3A_155] {strides = array<i32>} : memref<400x128xf32, #tpu.memory_space<vmem>>, vector<1x16xf32>,
      %get3A_157 = vector.shape_cast %get3A_156 : vector<1x16xf32> to vector<16xf32>
      %add3A_158 = arith.addf %add3A_114, %get3A_157 : vector<16xf32>
      %get3A_159 = arith.index_cast %add3A_133 : i32 to index
      %get3A_160 = arith.constant 80 : index
      %get3A_161 = tpu.vector_load %arg4[%get3A_159, %get3A_160] {strides = array<i32>} : memref<400x128xf32, #tpu.memory_space<vmem>>, vector<1x16xf32>,
      %get3A_162 = vector.shape_cast %get3A_161 : vector<1x16xf32> to vector<16xf32>
      %add3A_163 = arith.addf %add3A_119, %get3A_162 : vector<16xf32>
      %get3A_164 = arith.index_cast %add3A_133 : i32 to index
      %get3A_165 = arith.constant 96 : index
      %get3A_166 = tpu.vector_load %arg4[%get3A_164, %get3A_165] {strides = array<i32>} : memref<400x128xf32, #tpu.memory_space<vmem>>, vector<1x16xf32>,
      %get3A_167 = vector.shape_cast %get3A_166 : vector<1x16xf32> to vector<16xf32>
      %add3A_168 = arith.addf %add3A_124, %get3A_167 : vector<16xf32>
      %get3A_169 = arith.index_cast %add3A_133 : i32 to index
      %get3A_170 = arith.constant 112 : index
      %get3A_171 = tpu.vector_load %arg4[%get3A_169, %get3A_170] {strides = array<i32>} : memref<400x128xf32, #tpu.memory_space<vmem>>, vector<1x16xf32>,
      %get3A_172 = vector.shape_cast %get3A_171 : vector<1x16xf32> to vector<16xf32>
      %add3A_173 = arith.addf %add3A_129, %get3A_172 : vector<16xf32>
      %mul3A_174 = arith.constant 4 : i32
      %mul3A_175 = arith.muli %scan3A_78, %mul3A_174 : i32
      %add3A_176 = arith.constant 2 : i32
      %add3A_177 = arith.addi %mul3A_175, %add3A_176 : i32
      %get3A_178 = arith.index_cast %add3A_177 : i32 to index
      %get3A_179 = arith.constant 0 : index
      %get3A_180 = tpu.vector_load %arg4[%get3A_178, %get3A_179] {strides = array<i32>} : memref<400x128xf32, #tpu.memory_space<vmem>>, vector<1x16xf32>,
      %get3A_181 = vector.shape_cast %get3A_180 : vector<1x16xf32> to vector<16xf32>
      %add3A_182 = arith.addf %add3A_138, %get3A_181 : vector<16xf32>
      %get3A_183 = arith.index_cast %add3A_177 : i32 to index
      %get3A_184 = arith.constant 16 : index
      %get3A_185 = tpu.vector_load %arg4[%get3A_183, %get3A_184] {strides = array<i32>} : memref<400x128xf32, #tpu.memory_space<vmem>>, vector<1x16xf32>,
      %get3A_186 = vector.shape_cast %get3A_185 : vector<1x16xf32> to vector<16xf32>
      %add3A_187 = arith.addf %add3A_143, %get3A_186 : vector<16xf32>
      %get3A_188 = arith.index_cast %add3A_177 : i32 to index
      %get3A_189 = arith.constant 32 : index
      %get3A_190 = tpu.vector_load %arg4[%get3A_188, %get3A_189] {strides = array<i32>} : memref<400x128xf32, #tpu.memory_space<vmem>>, vector<1x16xf32>,
      %get3A_191 = vector.shape_cast %get3A_190 : vector<1x16xf32> to vector<16xf32>
      %add3A_192 = arith.addf %add3A_148, %get3A_191 : vector<16xf32>
      %get3A_193 = arith.index_cast %add3A_177 : i32 to index
      %get3A_194 = arith.constant 48 : index
      %get3A_195 = tpu.vector_load %arg4[%get3A_193, %get3A_194] {strides = array<i32>} : memref<400x128xf32, #tpu.memory_space<vmem>>, vector<1x16xf32>,
      %get3A_196 = vector.shape_cast %get3A_195 : vector<1x16xf32> to vector<16xf32>
      %add3A_197 = arith.addf %add3A_153, %get3A_196 : vector<16xf32>
      %get3A_198 = arith.index_cast %add3A_177 : i32 to index
      %get3A_199 = arith.constant 64 : index
      %get3A_200 = tpu.vector_load %arg4[%get3A_198, %get3A_199] {strides = array<i32>} : memref<400x128xf32, #tpu.memory_space<vmem>>, vector<1x16xf32>,
      %get3A_201 = vector.shape_cast %get3A_200 : vector<1x16xf32> to vector<16xf32>
      %add3A_202 = arith.addf %add3A_158, %get3A_201 : vector<16xf32>
      %get3A_203 = arith.index_cast %add3A_177 : i32 to index
      %get3A_204 = arith.constant 80 : index
      %get3A_205 = tpu.vector_load %arg4[%get3A_203, %get3A_204] {strides = array<i32>} : memref<400x128xf32, #tpu.memory_space<vmem>>, vector<1x16xf32>,
      %get3A_206 = vector.shape_cast %get3A_205 : vector<1x16xf32> to vector<16xf32>
      %add3A_207 = arith.addf %add3A_163, %get3A_206 : vector<16xf32>
      %get3A_208 = arith.index_cast %add3A_177 : i32 to index
      %get3A_209 = arith.constant 96 : index
      %get3A_210 = tpu.vector_load %arg4[%get3A_208, %get3A_209] {strides = array<i32>} : memref<400x128xf32, #tpu.memory_space<vmem>>, vector<1x16xf32>,
      %get3A_211 = vector.shape_cast %get3A_210 : vector<1x16xf32> to vector<16xf32>
      %add3A_212 = arith.addf %add3A_168, %get3A_211 : vector<16xf32>
      %get3A_213 = arith.index_cast %add3A_177 : i32 to index
      %get3A_214 = arith.constant 112 : index
      %get3A_215 = tpu.vector_load %arg4[%get3A_213, %get3A_214] {strides = array<i32>} : memref<400x128xf32, #tpu.memory_space<vmem>>, vector<1x16xf32>,
      %get3A_216 = vector.shape_cast %get3A_215 : vector<1x16xf32> to vector<16xf32>
      %add3A_217 = arith.addf %add3A_173, %get3A_216 : vector<16xf32>
      %mul3A_218 = arith.constant 4 : i32
      %mul3A_219 = arith.muli %scan3A_78, %mul3A_218 : i32
      %add3A_220 = arith.constant 3 : i32
      %add3A_221 = arith.addi %mul3A_219, %add3A_220 : i32
      %get3A_222 = arith.index_cast %add3A_221 : i32 to index
      %get3A_223 = arith.constant 0 : index
      %get3A_224 = tpu.vector_load %arg4[%get3A_222, %get3A_223] {strides = array<i32>} : memref<400x128xf32, #tpu.memory_space<vmem>>, vector<1x16xf32>,
      %get3A_225 = vector.shape_cast %get3A_224 : vector<1x16xf32> to vector<16xf32>
      %add3A_226 = arith.addf %add3A_182, %get3A_225 : vector<16xf32>
      %get3A_227 = arith.index_cast %add3A_221 : i32 to index
      %get3A_228 = arith.constant 16 : index
      %get3A_229 = tpu.vector_load %arg4[%get3A_227, %get3A_228] {strides = array<i32>} : memref<400x128xf32, #tpu.memory_space<vmem>>, vector<1x16xf32>,
      %get3A_230 = vector.shape_cast %get3A_229 : vector<1x16xf32> to vector<16xf32>
      %add3A_231 = arith.addf %add3A_187, %get3A_230 : vector<16xf32>
      %get3A_232 = arith.index_cast %add3A_221 : i32 to index
      %get3A_233 = arith.constant 32 : index
      %get3A_234 = tpu.vector_load %arg4[%get3A_232, %get3A_233] {strides = array<i32>} : memref<400x128xf32, #tpu.memory_space<vmem>>, vector<1x16xf32>,
      %get3A_235 = vector.shape_cast %get3A_234 : vector<1x16xf32> to vector<16xf32>
      %add3A_236 = arith.addf %add3A_192, %get3A_235 : vector<16xf32>
      %get3A_237 = arith.index_cast %add3A_221 : i32 to index
      %get3A_238 = arith.constant 48 : index
      %get3A_239 = tpu.vector_load %arg4[%get3A_237, %get3A_238] {strides = array<i32>} : memref<400x128xf32, #tpu.memory_space<vmem>>, vector<1x16xf32>,
      %get3A_240 = vector.shape_cast %get3A_239 : vector<1x16xf32> to vector<16xf32>
      %add3A_241 = arith.addf %add3A_197, %get3A_240 : vector<16xf32>
      %get3A_242 = arith.index_cast %add3A_221 : i32 to index
      %get3A_243 = arith.constant 64 : index
      %get3A_244 = tpu.vector_load %arg4[%get3A_242, %get3A_243] {strides = array<i32>} : memref<400x128xf32, #tpu.memory_space<vmem>>, vector<1x16xf32>,
      %get3A_245 = vector.shape_cast %get3A_244 : vector<1x16xf32> to vector<16xf32>
      %add3A_246 = arith.addf %add3A_202, %get3A_245 : vector<16xf32>
      %get3A_247 = arith.index_cast %add3A_221 : i32 to index
      %get3A_248 = arith.constant 80 : index
      %get3A_249 = tpu.vector_load %arg4[%get3A_247, %get3A_248] {strides = array<i32>} : memref<400x128xf32, #tpu.memory_space<vmem>>, vector<1x16xf32>,
      %get3A_250 = vector.shape_cast %get3A_249 : vector<1x16xf32> to vector<16xf32>
      %add3A_251 = arith.addf %add3A_207, %get3A_250 : vector<16xf32>
      %get3A_252 = arith.index_cast %add3A_221 : i32 to index
      %get3A_253 = arith.constant 96 : index
      %get3A_254 = tpu.vector_load %arg4[%get3A_252, %get3A_253] {strides = array<i32>} : memref<400x128xf32, #tpu.memory_space<vmem>>, vector<1x16xf32>,
      %get3A_255 = vector.shape_cast %get3A_254 : vector<1x16xf32> to vector<16xf32>
      %add3A_256 = arith.addf %add3A_212, %get3A_255 : vector<16xf32>
      %get3A_257 = arith.index_cast %add3A_221 : i32 to index
      %get3A_258 = arith.constant 112 : index
      %get3A_259 = tpu.vector_load %arg4[%get3A_257, %get3A_258] {strides = array<i32>} : memref<400x128xf32, #tpu.memory_space<vmem>>, vector<1x16xf32>,
      %get3A_260 = vector.shape_cast %get3A_259 : vector<1x16xf32> to vector<16xf32>
      %add3A_261 = arith.addf %add3A_217, %get3A_260 : vector<16xf32>
      scf.yield %add3A_226, %add3A_231, %add3A_236, %add3A_241, %add3A_246, %add3A_251, %add3A_256, %add3A_261 : vector<16xf32>, vector<16xf32>, vector<16xf32>, vector<16xf32>, vector<16xf32>, vector<16xf32>, vector<16xf32>, vector<16xf32>
    }
    %scan3A_42 = arith.constant 100 : i32
    %dma_wait3A_43 = arith.constant 0 : i32
    %dma_wait3A_44 = tpu.memref_slice %arg2[%mul3A_0, %dma_wait3A_43] : memref<160000x128xf32, #tpu.memory_space<hbm>> -> memref<400x128xf32, #tpu.memory_space<hbm>>
    %dma_wait3A_45 = arith.constant 0 : i32
    %dma_wait3A_46 = tpu.memref_slice %arg2[%mul3A_0, %dma_wait3A_45] : memref<160000x128xf32, #tpu.memory_space<hbm>> -> memref<400x128xf32, #tpu.memory_space<hbm>>
    tpu.wait_dma2 semaphore(%arg8 : memref<!tpu.dma_semaphore, #tpu.memory_space<semaphore_mem>>) src(%dma_wait3A_46 : memref<400x128xf32, #tpu.memory_space<hbm>>) dst(%arg5 : memref<400x128xf32, #tpu.memory_space<vmem>>)
    %swap3A = arith.constant 0 : index
    %swap3A_47 = tpu.vector_load %arg6[%swap3A] {strides = array<i32>} : memref<128xf32, #tpu.memory_space<vmem>>, vector<16xf32>,
    %swap3A_48 = vector.shape_cast %swap3A_47 : vector<16xf32> to vector<16xf32>
    %swap3A_49 = vector.shape_cast %scan3A_41#0 : vector<16xf32> to vector<16xf32>
    tpu.vector_store %arg6[%swap3A], %swap3A_49 {strides = array<i32>} : memref<128xf32, #tpu.memory_space<vmem>>, vector<16xf32>,
    %swap3A_50 = arith.constant 16 : index
    %swap3A_51 = tpu.vector_load %arg6[%swap3A_50] {strides = array<i32>} : memref<128xf32, #tpu.memory_space<vmem>>, vector<16xf32>,
    %swap3A_52 = vector.shape_cast %swap3A_51 : vector<16xf32> to vector<16xf32>
    %swap3A_53 = vector.shape_cast %scan3A_41#1 : vector<16xf32> to vector<16xf32>
    tpu.vector_store %arg6[%swap3A_50], %swap3A_53 {strides = array<i32>} : memref<128xf32, #tpu.memory_space<vmem>>, vector<16xf32>,
    %swap3A_54 = arith.constant 32 : index
    %swap3A_55 = tpu.vector_load %arg6[%swap3A_54] {strides = array<i32>} : memref<128xf32, #tpu.memory_space<vmem>>, vector<16xf32>,
    %swap3A_56 = vector.shape_cast %swap3A_55 : vector<16xf32> to vector<16xf32>
    %swap3A_57 = vector.shape_cast %scan3A_41#2 : vector<16xf32> to vector<16xf32>
    tpu.vector_store %arg6[%swap3A_54], %swap3A_57 {strides = array<i32>} : memref<128xf32, #tpu.memory_space<vmem>>, vector<16xf32>,
    %swap3A_58 = arith.constant 48 : index
    %swap3A_59 = tpu.vector_load %arg6[%swap3A_58] {strides = array<i32>} : memref<128xf32, #tpu.memory_space<vmem>>, vector<16xf32>,
    %swap3A_60 = vector.shape_cast %swap3A_59 : vector<16xf32> to vector<16xf32>
    %swap3A_61 = vector.shape_cast %scan3A_41#3 : vector<16xf32> to vector<16xf32>
    tpu.vector_store %arg6[%swap3A_58], %swap3A_61 {strides = array<i32>} : memref<128xf32, #tpu.memory_space<vmem>>, vector<16xf32>,
    %swap3A_62 = arith.constant 64 : index
    %swap3A_63 = tpu.vector_load %arg6[%swap3A_62] {strides = array<i32>} : memref<128xf32, #tpu.memory_space<vmem>>, vector<16xf32>,
    %swap3A_64 = vector.shape_cast %swap3A_63 : vector<16xf32> to vector<16xf32>
    %swap3A_65 = vector.shape_cast %scan3A_41#4 : vector<16xf32> to vector<16xf32>
    tpu.vector_store %arg6[%swap3A_62], %swap3A_65 {strides = array<i32>} : memref<128xf32, #tpu.memory_space<vmem>>, vector<16xf32>,
    %swap3A_66 = arith.constant 80 : index
    %swap3A_67 = tpu.vector_load %arg6[%swap3A_66] {strides = array<i32>} : memref<128xf32, #tpu.memory_space<vmem>>, vector<16xf32>,
    %swap3A_68 = vector.shape_cast %swap3A_67 : vector<16xf32> to vector<16xf32>
    %swap3A_69 = vector.shape_cast %scan3A_41#5 : vector<16xf32> to vector<16xf32>
    tpu.vector_store %arg6[%swap3A_66], %swap3A_69 {strides = array<i32>} : memref<128xf32, #tpu.memory_space<vmem>>, vector<16xf32>,
    %swap3A_70 = arith.constant 96 : index
    %swap3A_71 = tpu.vector_load %arg6[%swap3A_70] {strides = array<i32>} : memref<128xf32, #tpu.memory_space<vmem>>, vector<16xf32>,
    %swap3A_72 = vector.shape_cast %swap3A_71 : vector<16xf32> to vector<16xf32>
    %swap3A_73 = vector.shape_cast %scan3A_41#6 : vector<16xf32> to vector<16xf32>
    tpu.vector_store %arg6[%swap3A_70], %swap3A_73 {strides = array<i32>} : memref<128xf32, #tpu.memory_space<vmem>>, vector<16xf32>,
    %swap3A_74 = arith.constant 112 : index
    %swap3A_75 = tpu.vector_load %arg6[%swap3A_74] {strides = array<i32>} : memref<128xf32, #tpu.memory_space<vmem>>, vector<16xf32>,
    %swap3A_76 = vector.shape_cast %swap3A_75 : vector<16xf32> to vector<16xf32>
    %swap3A_77 = vector.shape_cast %scan3A_41#7 : vector<16xf32> to vector<16xf32>
    tpu.vector_store %arg6[%swap3A_74], %swap3A_77 {strides = array<i32>} : memref<128xf32, #tpu.memory_space<vmem>>, vector<16xf32>,
    "tpu.region"() ({
      %run_scoped3A = tpu.sem_alloc : memref<!tpu.dma_semaphore, #tpu.memory_space<semaphore_mem>>
      %dma_start3A_78 = arith.constant 0 : i32
      %dma_start3A_79 = tpu.memref_slice %arg3[%arg1, %dma_start3A_78] : memref<16x128xf32, #tpu.memory_space<hbm>> -> memref<1x128xf32, #tpu.memory_space<hbm>>
      %dma_start3A_80 = tpu.memref_squeeze %dma_start3A_79 : memref<1x128xf32, #tpu.memory_space<hbm>> -> memref<128xf32, #tpu.memory_space<hbm>>
      %dma_start3A_81 = arith.constant 0 : i32
      %dma_start3A_82 = tpu.memref_slice %arg3[%arg1, %dma_start3A_81] : memref<16x128xf32, #tpu.memory_space<hbm>> -> memref<1x128xf32, #tpu.memory_space<hbm>>
      %dma_start3A_83 = tpu.memref_squeeze %dma_start3A_82 : memref<1x128xf32, #tpu.memory_space<hbm>> -> memref<128xf32, #tpu.memory_space<hbm>>
      tpu.enqueue_dma source(%arg6 : memref<128xf32, #tpu.memory_space<vmem>>) target(%dma_start3A_83 : memref<128xf32, #tpu.memory_space<hbm>>) target_semaphore(%run_scoped3A : memref<!tpu.dma_semaphore, #tpu.memory_space<semaphore_mem>>)
      %dma_wait3A_84 = arith.constant 0 : i32
      %dma_wait3A_85 = tpu.memref_slice %arg3[%arg1, %dma_wait3A_84] : memref<16x128xf32, #tpu.memory_space<hbm>> -> memref<1x128xf32, #tpu.memory_space<hbm>>
      %dma_wait3A_86 = tpu.memref_squeeze %dma_wait3A_85 : memref<1x128xf32, #tpu.memory_space<hbm>> -> memref<128xf32, #tpu.memory_space<hbm>>
      %dma_wait3A_87 = arith.constant 0 : i32
      %dma_wait3A_88 = tpu.memref_slice %arg3[%arg1, %dma_wait3A_87] : memref<16x128xf32, #tpu.memory_space<hbm>> -> memref<1x128xf32, #tpu.memory_space<hbm>>
      %dma_wait3A_89 = tpu.memref_squeeze %dma_wait3A_88 : memref<1x128xf32, #tpu.memory_space<hbm>> -> memref<128xf32, #tpu.memory_space<hbm>>
      tpu.wait_dma2 semaphore(%run_scoped3A : memref<!tpu.dma_semaphore, #tpu.memory_space<semaphore_mem>>) src(%arg6 : memref<128xf32, #tpu.memory_space<vmem>>) dst(%dma_wait3A_89 : memref<128xf32, #tpu.memory_space<hbm>>)
      tpu.yield
    }) : () -> ()
    return
  }
}

module attributes {stable_mosaic.version = 14 : i64} {
  func.func @_tc_sum_kernel(%arg0: i32, %arg1: memref<8000x256xf32, #tpu.memory_space<vmem>>, %arg2: memref<3200x128xf32, #tpu.memory_space<vmem>>, %arg3: memref<1x256xf32, #tpu.memory_space<vmem>>, %arg4: memref<1x128xf32, #tpu.memory_space<vmem>>, %arg5: memref<1x256xf32, #tpu.memory_space<vmem>>, %arg6: memref<1x128xf32, #tpu.memory_space<vmem>>) attributes {dimension_semantics = [#tpu.dimension_semantics<arbitrary>], iteration_bounds = array<i64: 40>, scalar_prefetch = 0 : i64, scratch_operands = 2 : i64, tpu.core_type = #tpu.core_type<tc>, window_params = [{transform_indices = @transform_0, window_bounds = array<i64: 8000, 256>}, {transform_indices = @transform_1, window_bounds = array<i64: 3200, 128>}, {pipeline_mode = #tpu.pipeline_mode<synchronous>, transform_indices = @transform_2, window_bounds = array<i64: 1, 256>}, {pipeline_mode = #tpu.pipeline_mode<synchronous>, transform_indices = @transform_3, window_bounds = array<i64: 1, 128>}]} {
    %eq3A = arith.constant 0 : i32
    %eq3A_0 = arith.cmpi eq, %arg0, %eq3A : i32
    %convert_element_type3A = arith.extui %eq3A_0 : i1 to i32
    %cond3A = arith.constant 0 : i32
    %cond3A_1 = arith.cmpi ne, %convert_element_type3A, %cond3A : i32
    scf.if %cond3A_1 {
      %broadcast_in_dim3A_28 = arith.constant 0.000000e+00 : f32
      %broadcast_in_dim3A_29 = vector.broadcast %broadcast_in_dim3A_28 : f32 to vector<1x256xf32>
      %swap3A_30 = arith.constant 0 : index
      %swap3A_31 = arith.constant 0 : index
      %swap3A_32 = vector.load %arg5[%swap3A_30, %swap3A_31] : memref<1x256xf32, #tpu.memory_space<vmem>>, vector<1x256xf32>
      tpu.vector_store %arg5[%swap3A_30, %swap3A_31], %broadcast_in_dim3A_29 {strides = array<i32>} : memref<1x256xf32, #tpu.memory_space<vmem>>, vector<1x256xf32>,
      %broadcast_in_dim3A_33 = arith.constant 0.000000e+00 : f32
      %broadcast_in_dim3A_34 = vector.broadcast %broadcast_in_dim3A_33 : f32 to vector<1x128xf32>
      %swap3A_35 = arith.constant 0 : index
      %swap3A_36 = arith.constant 0 : index
      %swap3A_37 = vector.load %arg6[%swap3A_35, %swap3A_36] : memref<1x128xf32, #tpu.memory_space<vmem>>, vector<1x128xf32>
      tpu.vector_store %arg6[%swap3A_35, %swap3A_36], %broadcast_in_dim3A_34 {strides = array<i32>} : memref<1x128xf32, #tpu.memory_space<vmem>>, vector<1x128xf32>,
    } else {
    }
    %get3A = arith.constant 0 : index
    %get3A_2 = arith.constant 0 : index
    %get3A_3 = vector.load %arg5[%get3A, %get3A_2] : memref<1x256xf32, #tpu.memory_space<vmem>>, vector<1x256xf32>
    %get3A_4 = arith.constant 0 : index
    %get3A_5 = arith.constant 0 : index
    %get3A_6 = vector.load %arg1[%get3A_4, %get3A_5] : memref<8000x256xf32, #tpu.memory_space<vmem>>, vector<8000x256xf32>
    %reduce_sum3A = arith.constant dense<0.000000e+00> : vector<256xf32>
    %reduce_sum3A_7 = vector.multi_reduction <add>, %get3A_6, %reduce_sum3A [0] : vector<8000x256xf32> to vector<256xf32>
    %broadcast_in_dim3A = vector.shape_cast %reduce_sum3A_7 : vector<256xf32> to vector<1x256xf32>
    %add3A = arith.addf %get3A_3, %broadcast_in_dim3A : vector<1x256xf32>
    %swap3A = arith.constant 0 : index
    %swap3A_8 = arith.constant 0 : index
    %swap3A_9 = vector.load %arg5[%swap3A, %swap3A_8] : memref<1x256xf32, #tpu.memory_space<vmem>>, vector<1x256xf32>
    tpu.vector_store %arg5[%swap3A, %swap3A_8], %add3A {strides = array<i32>} : memref<1x256xf32, #tpu.memory_space<vmem>>, vector<1x256xf32>,
    %get3A_10 = arith.constant 0 : index
    %get3A_11 = arith.constant 0 : index
    %get3A_12 = vector.load %arg6[%get3A_10, %get3A_11] : memref<1x128xf32, #tpu.memory_space<vmem>>, vector<1x128xf32>
    %get3A_13 = arith.constant 0 : index
    %get3A_14 = arith.constant 0 : index
    %get3A_15 = vector.load %arg2[%get3A_13, %get3A_14] : memref<3200x128xf32, #tpu.memory_space<vmem>>, vector<3200x128xf32>
    %reduce_sum3A_16 = arith.constant dense<0.000000e+00> : vector<128xf32>
    %reduce_sum3A_17 = vector.multi_reduction <add>, %get3A_15, %reduce_sum3A_16 [0] : vector<3200x128xf32> to vector<128xf32>
    %broadcast_in_dim3A_18 = vector.shape_cast %reduce_sum3A_17 : vector<128xf32> to vector<1x128xf32>
    %add3A_19 = arith.addf %get3A_12, %broadcast_in_dim3A_18 : vector<1x128xf32>
    %swap3A_20 = arith.constant 0 : index
    %swap3A_21 = arith.constant 0 : index
    %swap3A_22 = vector.load %arg6[%swap3A_20, %swap3A_21] : memref<1x128xf32, #tpu.memory_space<vmem>>, vector<1x128xf32>
    tpu.vector_store %arg6[%swap3A_20, %swap3A_21], %add3A_19 {strides = array<i32>} : memref<1x128xf32, #tpu.memory_space<vmem>>, vector<1x128xf32>,
    %eq3A_23 = arith.constant 39 : i32
    %eq3A_24 = arith.cmpi eq, %arg0, %eq3A_23 : i32
    %convert_element_type3A_25 = arith.extui %eq3A_24 : i1 to i32
    %cond3A_26 = arith.constant 0 : i32
    %cond3A_27 = arith.cmpi ne, %convert_element_type3A_25, %cond3A_26 : i32
    scf.if %cond3A_27 {
      %get3A_28 = arith.constant 0 : index
      %get3A_29 = arith.constant 0 : index
      %get3A_30 = vector.load %arg5[%get3A_28, %get3A_29] : memref<1x256xf32, #tpu.memory_space<vmem>>, vector<1x256xf32>
      %swap3A_31 = arith.constant 0 : index
      %swap3A_32 = arith.constant 0 : index
      %swap3A_33 = vector.load %arg3[%swap3A_31, %swap3A_32] : memref<1x256xf32, #tpu.memory_space<vmem>>, vector<1x256xf32>
      tpu.vector_store %arg3[%swap3A_31, %swap3A_32], %get3A_30 {strides = array<i32>} : memref<1x256xf32, #tpu.memory_space<vmem>>, vector<1x256xf32>,
      %get3A_34 = arith.constant 0 : index
      %get3A_35 = arith.constant 0 : index
      %get3A_36 = vector.load %arg6[%get3A_34, %get3A_35] : memref<1x128xf32, #tpu.memory_space<vmem>>, vector<1x128xf32>
      %swap3A_37 = arith.constant 0 : index
      %swap3A_38 = arith.constant 0 : index
      %swap3A_39 = vector.load %arg4[%swap3A_37, %swap3A_38] : memref<1x128xf32, #tpu.memory_space<vmem>>, vector<1x128xf32>
      tpu.vector_store %arg4[%swap3A_37, %swap3A_38], %get3A_36 {strides = array<i32>} : memref<1x128xf32, #tpu.memory_space<vmem>>, vector<1x128xf32>,
    } else {
    }
    return
  }
  func.func @transform_0(%arg0: i32) -> (i32, i32) {
    %c0_i32 = arith.constant 0 : i32
    %c0_i32_0 = arith.constant 0 : i32
    return %arg0, %c0_i32 : i32, i32
  }
  func.func @transform_1(%arg0: i32) -> (i32, i32) {
    %add3A = arith.constant 10 : i32
    %add3A_0 = arith.addi %arg0, %add3A : i32
    %c0_i32 = arith.constant 0 : i32
    %c0_i32_1 = arith.constant 0 : i32
    return %add3A_0, %c0_i32 : i32, i32
  }
  func.func @transform_2(%arg0: i32) -> (i32, i32) {
    %c0_i32 = arith.constant 0 : i32
    %c0_i32_0 = arith.constant 0 : i32
    %c0_i32_1 = arith.constant 0 : i32
    return %c0_i32, %c0_i32_0 : i32, i32
  }
  func.func @transform_3(%arg0: i32) -> (i32, i32) {
    %c0_i32 = arith.constant 0 : i32
    %c0_i32_0 = arith.constant 0 : i32
    %c0_i32_1 = arith.constant 0 : i32
    return %c0_i32, %c0_i32_0 : i32, i32
  }
}

module attributes {stable_mosaic.version = 14 : i64} {
  func.func @_combine_kernel(%arg0: memref<1x256xf32, #tpu.memory_space<vmem>>, %arg1: memref<1x128xf32, #tpu.memory_space<vmem>>, %arg2: memref<16x128xf32, #tpu.memory_space<vmem>>, %arg3: memref<128x384xf32, #tpu.memory_space<vmem>>, %arg4: memref<1x128xf32, #tpu.memory_space<vmem>>, %arg5: memref<1x128xf32, #tpu.memory_space<vmem>>) attributes {dimension_semantics = [], scalar_prefetch = 0 : i64, scratch_operands = 0 : i64, tpu.core_type = #tpu.core_type<tc>} {
    %get3A = arith.constant 0 : index
    %get3A_0 = arith.constant 0 : index
    %get3A_1 = vector.load %arg0[%get3A, %get3A_0] : memref<1x256xf32, #tpu.memory_space<vmem>>, vector<1x256xf32>
    %div3A = arith.constant 3.200000e+05 : f32
    %div3A_2 = vector.broadcast %div3A : f32 to vector<1x256xf32>
    %div3A_3 = arith.divf %get3A_1, %div3A_2 : vector<1x256xf32>
    %get3A_4 = arith.constant 0 : index
    %get3A_5 = arith.constant 0 : index
    %get3A_6 = vector.load %arg1[%get3A_4, %get3A_5] : memref<1x128xf32, #tpu.memory_space<vmem>>, vector<1x128xf32>
    %get3A_7 = arith.constant 0 : index
    %get3A_8 = arith.constant 0 : index
    %get3A_9 = vector.load %arg2[%get3A_7, %get3A_8] : memref<16x128xf32, #tpu.memory_space<vmem>>, vector<16x128xf32>
    %reduce_sum3A = arith.constant dense<0.000000e+00> : vector<128xf32>
    %reduce_sum3A_10 = vector.multi_reduction <add>, %get3A_9, %reduce_sum3A [0] : vector<16x128xf32> to vector<128xf32>
    %broadcast_in_dim3A = vector.shape_cast %reduce_sum3A_10 : vector<128xf32> to vector<1x128xf32>
    %add3A = arith.addf %get3A_6, %broadcast_in_dim3A : vector<1x128xf32>
    %div3A_11 = arith.constant 1.600000e+05 : f32
    %div3A_12 = vector.broadcast %div3A_11 : f32 to vector<1x128xf32>
    %div3A_13 = arith.divf %add3A, %div3A_12 : vector<1x128xf32>
    %concatenate3A = tpu.concatenate %div3A_3, %div3A_13 in 1 : vector<1x256xf32>, vector<1x128xf32> -> vector<1x384xf32>
    %get3A_14 = arith.constant 0 : index
    %get3A_15 = arith.constant 0 : index
    %get3A_16 = vector.load %arg3[%get3A_14, %get3A_15] : memref<128x384xf32, #tpu.memory_space<vmem>>, vector<128x384xf32>
    %dot_general3A = arith.constant dense<0.000000e+00> : vector<1x128xf32>
    %dot_general3A_17 = tpu.matmul %concatenate3A, %get3A_16, %dot_general3A {dimension_numbers = #tpu.dot_dimension_numbers<[1], [1], [0], [0], [0, 0, 1, 0], [], []>, transpose_lhs_hint = false} : vector<1x384xf32>, vector<128x384xf32>, vector<1x128xf32> -> vector<1x128xf32>
    %get3A_18 = arith.constant 0 : index
    %get3A_19 = arith.constant 0 : index
    %get3A_20 = vector.load %arg4[%get3A_18, %get3A_19] : memref<1x128xf32, #tpu.memory_space<vmem>>, vector<1x128xf32>
    %add3A_21 = arith.addf %dot_general3A_17, %get3A_20 : vector<1x128xf32>
    %swap3A = arith.constant 0 : index
    %swap3A_22 = arith.constant 0 : index
    %swap3A_23 = vector.load %arg5[%swap3A, %swap3A_22] : memref<1x128xf32, #tpu.memory_space<vmem>>, vector<1x128xf32>
    tpu.vector_store %arg5[%swap3A, %swap3A_22], %add3A_21 {strides = array<i32>} : memref<1x128xf32, #tpu.memory_space<vmem>>, vector<1x128xf32>,
    return
  }
}

</mosaic_0001>

<sc_bundles>
// kernel: kernel.5.cloned.1.call-start
scs
__scs_entry_jumppad:
0x0: {  	(pc) =	sbr.rel $0x88, $3  }
0x1: {  	(tag) =	ssettag $0x0;
	lr =	simm.s32 $0x1  }
0x2: {  	[smem:$0x3F9D] =	sst lr;
	_ =	strace $0xD0000000  }
0x3: {  	_ = 	snop  }
0x4: {  	_ = 	snop  }
0x5: {  	_ = 	snop  }
0x6: {  	_ = 	snop  }
0x7: {  	_ = 	snop  }
__scs_overlays_trampoline_lowered:
0x8: {  	[smem:$0x3FAC] =	sst s0  }
0x9: {  	[smem:$0x3FAD] =	sst s1  }
0xa: {  	[smem:$0x3FAE] =	sst s2  }
0xb: {  	[smem:$0x3FAF] =	sst s3  }
0xc: {  	[smem:$0x3FB0] =	sst s4  }
0xd: {  	[smem:$0x3FB1] =	sst s5  }
0xe: {  	[smem:$0x3FB2] =	sst s6  }
0xf: {  	[smem:$0x3FB3] =	sst s7  }
0x10: {  	[smem:$0x3FB4] =	sst s8  }
0x11: {  	[smem:$0x3FB5] =	sst s9;
	s0 =	simm.s32 @!p0 $0x0  }
0x12: {  	s1 =	sld [smem:$0x3F9B];
	s0 =	simm.s32 @p0 $0x1  }
0x13: {  	[smem:$0x3FB6] =	sst s0;
	s0 =	simm.s32 @!p1 $0x0  }
0x14: {  	s2 =	sld [smem:$0x3F9A];
	s0 =	simm.s32 @p1 $0x1  }
0x15: {  	[smem:$0x3FB7] =	sst s0;
	s0 =	simm.s32 @!p2 $0x0  }
0x16: {  	s3 =	sld [smem:$0x3FDB];
	s0 =	simm.s32 @p2 $0x1  }
0x17: {  	s4 =	simm.s32 $0x1BF5;
	[smem:$0x3FB9] =	sst s0  }
0x18: {  	s0 =	sld [smem:$0x3F9C];
	_ =	swait.ge [sflag:s4], $0x0  }
0x19: {  	s7 =	sld [smem:$0x3F9D]  }
0x1a: {  	s8 =	sadd.s32 $0xFFFFE003, lr  }
0x1b: {  	s9 =	sadd.s32 $0xFFFFFEF7, lr;
	s5 =	simm.s32 $0xFFFFFFFF;
	p2 =	slt.u32 s8, $0xFFFFF086  }
0x1c: {  	p1 =	slt.u32 s9, $0xF7A;
	s5 =	simm.s32 @!p2 $0x0  }
0x1d: {  	s5 =	simm.s32 @p1 $0x1;
	p0 =	seq.s32 s7, s2  }
0x1e: {  	s7 =	smul.u32 @!p0 $0xF7A, s2;
	p2 =	seq.s32 @!p0 s5, $0x0  }
0x1f: {  	s9 =	smul.u32 $0xF7A, s1;
	s8 =	simm.s32 @!p0 $0x1BF5;
	p2 =	por !p2, p0  }
0x20: {  	[sflag:s8] =	ssyncset.s32 @!p0 $0xFFFFF086;
	s6 =	sadd.s32 @!p0 s3, s7;
	s7 =	simm.s32 @!p0 $0x108  }
0x21: {  	s3 =	sadd.s32 s3, s9;
	s6 =	sadd.s32 @!p0 $0x88, s6;
	s7 =	simm.s32 @p2 $0x1082  }
0x22: {  	[simem:s7], [sflag:s8] =	dma.local @!p0 [hbm:s6], $0xF7A  }
0x23: {  	s9 =	sor.u32 $0xD0000000, s2;
	s6 =	simm.s32 $0x108;
	_ =	swait.ge @!p0 [sflag:s8], $0x0  }
0x24: {  	s3 =	sadd.s32 $0x88, s3;
	s6 =	simm.s32 @!p1 $0x1082;
	[sflag:s4] =	ssyncset.s32 $0xFFFFF086  }
0x25: {  	[simem:s6], [sflag:s4] =	dma.local [hbm:s3], $0xF7A  }
0x26: {  	[smem:$0x3F9D] =	sst s1;
	(tag) =	ssettag s2;
	_ =	strace s9  }
0x27: {  	s1 =	sld [smem:$0x3FAD]  }
0x28: {  	s2 =	sld [smem:$0x3FAE]  }
0x29: {  	s4 =	sld [smem:$0x3FB0]  }
0x2a: {  	p0 =	seq.s32 s5, $0x0;
	s5 =	sld [smem:$0x3FB1]  }
0x2b: {  	s6 =	sld [smem:$0x3FB2]  }
0x2c: {  	s7 =	sld [smem:$0x3FB3]  }
0x2d: {  	s3 =	simm.s32 $0x108;
	s8 =	sld [smem:$0x3FB4]  }
0x2e: {  	s3 =	simm.s32 @!p0 $0x1082;
	s9 =	sld [smem:$0x3FB5]  }
0x2f: {  	lr =	sadd.s32 s0, s3;
	s0 =	sld [smem:$0x3FAC]  }
0x30: {  	s3 =	sld [smem:$0x3FAF]  }
0x31: {  	[smem:$0x3FB8] =	sst s10  }
0x32: {  	s10 =	sld [smem:$0x3FB6];
	_ =	sdelay $0x3  }
0x33: {  	p0 =	seq.s32 s10, $0x1;
	s10 =	sld [smem:$0x3FB8];
	_ =	sdelay $0x3  }
0x34: {  	[smem:$0x3FB8] =	sst s10  }
0x35: {  	s10 =	sld [smem:$0x3FB7];
	_ =	sdelay $0x3  }
0x36: {  	p1 =	seq.s32 s10, $0x1;
	s10 =	sld [smem:$0x3FB8];
	_ =	sdelay $0x3  }
0x37: {  	[smem:$0x3FB8] =	sst s10  }
0x38: {  	s10 =	sld [smem:$0x3FB9]  }
0x39: {  	_ = 	snop;
	(pc) =	sbr.ind lr, $3  }
0x3a: {  	_ = 	snop  }
0x3b: {  	_ = 	snop  }
0x3c: {  	p2 =	seq.s32 s10, $0x1;
	s10 =	sld [smem:$0x3FB8]  }
0x3d: {  	_ =	shalt  }
0x3e: {  	_ =	shalt  }
0x3f: {  	_ =	shalt  }
0x40: {  	_ =	shalt  }
0x41: {  	_ =	shalt  }
0x42: {  	_ =	shalt  }
0x43: {  	_ =	shalt  }
0x44: {  	_ =	shalt  }
0x45: {  	_ =	shalt  }
0x46: {  	_ =	shalt  }
0x47: {  	_ =	shalt  }
0x48: {  	_ =	shalt  }
0x49: {  	_ =	shalt  }
0x4a: {  	_ =	shalt  }
0x4b: {  	_ =	shalt  }
0x4c: {  	_ =	shalt  }
0x4d: {  	_ =	shalt  }
0x4e: {  	_ =	shalt  }
0x4f: {  	_ =	shalt  }
0x50: {  	_ =	shalt  }
0x51: {  	_ =	shalt  }
0x52: {  	_ =	shalt  }
0x53: {  	_ =	shalt  }
0x54: {  	_ =	shalt  }
0x55: {  	_ =	shalt  }
0x56: {  	_ =	shalt  }
0x57: {  	_ =	shalt  }
0x58: {  	_ =	shalt  }
0x59: {  	_ =	shalt  }
0x5a: {  	_ =	shalt  }
0x5b: {  	_ =	shalt  }
0x5c: {  	_ =	shalt  }
0x5d: {  	_ =	shalt  }
0x5e: {  	_ =	shalt  }
0x5f: {  	_ =	shalt  }
0x60: {  	_ =	shalt  }
0x61: {  	_ =	shalt  }
0x62: {  	_ =	shalt  }
0x63: {  	_ =	shalt  }
0x64: {  	_ =	shalt  }
0x65: {  	_ =	shalt  }
0x66: {  	_ =	shalt  }
0x67: {  	_ =	shalt  }
0x68: {  	_ =	shalt  }
0x69: {  	_ =	shalt  }
0x6a: {  	_ =	shalt  }
0x6b: {  	_ =	shalt  }
0x6c: {  	_ =	shalt  }
0x6d: {  	_ =	shalt  }
0x6e: {  	_ =	shalt  }
0x6f: {  	_ =	shalt  }
0x70: {  	_ =	shalt  }
0x71: {  	_ =	shalt  }
0x72: {  	_ =	shalt  }
0x73: {  	_ =	shalt  }
0x74: {  	_ =	shalt  }
0x75: {  	_ =	shalt  }
0x76: {  	_ =	shalt  }
0x77: {  	_ =	shalt  }
0x78: {  	_ =	shalt  }
0x79: {  	_ =	shalt  }
0x7a: {  	_ =	shalt  }
0x7b: {  	_ =	shalt  }
0x7c: {  	_ =	shalt  }
0x7d: {  	_ =	shalt  }
0x7e: {  	_ =	shalt  }
0x7f: {  	_ =	shalt  }
0x80: {  	_ =	shalt  }
0x81: {  	_ =	shalt  }
0x82: {  	_ =	shalt  }
0x83: {  	_ =	shalt  }
0x84: {  	_ =	shalt  }
0x85: {  	_ =	shalt  }
0x86: {  	_ =	shalt  }
0x87: {  	_ =	shalt  }
.Lfunc_end0:
.L_simem_size_0:
called_computation_lowered:
.L_overlay_start_0:
0x88: {  	s0 =	sld [smem:$0x3FD9]  }
0x89: {  	s1 =	sld [smem:$0x3FFE];
	_ =	sdelay $0x3  }
0x8a: {  	s0 =	sadd.s32 s1, s0  }
0x8b: {  	[smem:$0x3FC4] =	sst s0  }
0x8c: {  	_ = 	snop  }
0x8d: {  	s0 =	sld [smem:$0x3FC8];
	(tm) =	ssettm $0x1  }
0x8e: {  	s16 =	sld [smem:$0x3FFB];
	_ =	sdelay $0x3  }
0x8f: {  	_ =	strace s16  }
0x90: {  	s1 =	sld [smem:$0x3FFC];
	_ =	sdelay $0x3  }
0x91: {  	_ =	strace s1  }
0x92: {  	s1 =	sld [smem:$0x3FFD];
	_ =	sdelay $0x3  }
0x93: {  	_ =	strace s1  }
0x94: {  	_ =	strace $0x8FFFFFFF  }
0x95: {  	s17 =	sld [smem:$0x3FDB];
	_ =	sdelay $0x1  }
0x96: {  	s2 =	simm.s32 $_scs_section_size  }
0x97: {  	s3 =	simm.s32 $_size__tile_overlayer_lowered;
	s4 =	simm.s32 $_tile_overlayer_lowered  }
0x98: {  	s20 =	simm.s32 $0x1BFF;
	s19 =	sshll.u32 s4, $0x1;
	s1 =	sadd.s32 s2, s17  }
0x99: {  	s5 =	simm.s32 $0x0;
	s18 =	sshll.u32 s3, $0x1;
	s3 =	sadd.s32 s19, s1  }
0x9a: {  	[timem:s5], [sflag:s20] =	dma.local [hbm:s3], s18  }
0x9b: {  	_ =	swait.ge [sflag:s20], s18  }
0x9c: {  	s2 =	ssub.s32 $0x0, s18;
	[sflag:s20] =	ssyncset.done $0x0  }
0x9d: {  	[sflag:s20] =	ssyncadd.s32 s2;
	_ =	sdelay $0x1  }
0x9e: {  	s21 =	simm.s32 $0x1B8B  }
0x9f: {  	_ =	swait.ge [sflag:s21], $0x1  }
0xa0: {  	[sflag:s21] =	ssyncset.done $0x0  }
0xa1: {  	s23 =	simm.s32 $0x1B8E;
	s22 =	sld [smem:$0x3FFE];
	[sflag:s21] =	ssyncadd.s32 $0xFFFFFFFF  }
0xa2: {  	s24 =	simm.s32 $execute0_lowered;
	[smem:$0x3FD2] =	sst s23  }
0xa3: {  	s3 =	sshll.u32 s24, $0x1;
	_ =	strace $0x80000046;
	[dreg:$0x1] =	wrdreg $0xFFFFFFFF  }
0xa4: {  	s25 =	simm.s32 $_size_execute0_lowered;
	s1 =	sadd.s32 s1, s3;
	[dreg:$0x0] =	wrdreg $0x0  }
0xa5: {  	s3 =	sshll.u32 s25, $0x1;
	[dreg:$0x2] =	wrdreg s1  }
0xa6: {  	[dreg:$0x3] =	wrdreg s3  }
0xa7: {  	[dreg:$0x4] =	wrdreg $0xC0  }
0xa8: {  	_ =	task [dreg:s5], $0x5FFFF  }
0xa9: {  	[dreg:$0x1] =	wrdreg $0xFFFFFFFF  }
0xaa: {  	[dreg:$0x0] =	wrdreg $0x60  }
0xab: {  	[dreg:$0x2] =	wrdreg s0  }
0xac: {  	[dreg:$0x3] =	wrdreg s22  }
0xad: {  	[dreg:$0x4] =	wrdreg $0x9  }
0xae: {  	_ =	task.clear_ibuf [dreg:s5], $0x5FFFF;
	_ =	strace $0x90000046  }
0xaf: {  	s26 =	simm.s32 $0x9;
	_ =	strace $0x80000048  }
0xb0: {  	_ =	swait.ge [sflag:s26], $0x1  }
0xb1: {  	[sflag:s26] =	ssyncadd.s32 $0xFFFFFFFF  }
0xb2: {  	_ =	strace $0x90000048  }
0xb3: {  	_ =	sfence  }
0xb4: {  	s28 =	sld [smem:$0x0];
	_ =	sdelay $0x1  }
0xb5: {  	s29 =	srdreg.scid  }
0xb6: {  	s30 =	sshll.u32 s29, $0xD;
	s31 =	sshrl.u32 s29, $0x2  }
0xb7: {  	s2 =	sand.u32 $0x4000, s30;
	s1 =	sand.u32 $0x1, s29;
	s0 =	sadd.s32 s31, s28  }
0xb8: {  	s1 =	sor.u32 s2, s1;
	s0 =	sshll.u32 s0, $0x11  }
0xb9: {  	s0 =	sor.u32 s0, s1  }
0xba: {  	s0 =	sadd.s32 $0x8F2B, s0  }
0xbb: {  	[sflag:s0] =	ssyncadd.remote.s32 $0x1  }
0xbc: {  	_ =	sfence.sel $0xFFFF  }
0xbd: {  	[dreg:$0x0] =	wrdreg $0xFFFFFFFF;
	(pc) =	sbr.abs _section_cstart, $3  }
0xbe: {  	[dreg:$0x1] =	wrdreg $0xFFFFFFFF  }
0xbf: {  	_ =	task.clear_ibuf [dreg:s5], $0x2FFFF;
	_ =	strace $0x9FFFFFFF  }
0xc0: {  	(tm) =	ssettm $0x7FFFFFFF  }
0xc1: {  	_ =	shalt  }
tec
execute0_lowered:
.L_overlay_start_1:
0x0: {  	(tag) =	ssettag $0x1  }
0x1: {  	s3 =	rddreg [dreg:$0x0]  }
0x2: {  	s2 =	rddreg [dreg:$0x1]  }
0x3: {  	s0 =	rddreg [dreg:$0x2];
	s4 =	simm.s32 $0x0;
	s1 =	stileid.u32  }
0x4: {  	p1 =	por $0x1, $0x1;
	s9 =	simm.s32 $0x1;
	s5 =	smul.u32 $0x7D00, s1  }
0x5: {  	s10 =	simm.s32 $0x2;
	s11 =	simm.s32 $0x0;
	[smem:$0x7FF] =	sst s4  }
0x6: {  	s2 =	sadd.s32 $0xC00, s2;
	_ =	strace $0x80000047;
	s6 =	sadd.s32 s3, s5  }
0x7: {  	[tilespmem:s4], [sflag:$0x1] =	stream.linear.gather [hbm4b:s6+s4], $0xC800, $0x38;
	[tilespmem:$0x19080] =	vst v63  }
0x8: {  	v0 =	vimm.f32 $0.0e+00;
	v1 =	vimm.f32 $0.0e+00;
	s8 =	smul.u32 $0x7D0, s1;
	s7 =	sadd.s32 $0x1900, s6;
	s6 =	simm.s32 $0xC800  }
0x9: {  	v2 =	vimm.f32 $0.0e+00;
	v3 =	vimm.f32 $0.0e+00;
	v12 =	vimm.f32 $0.0e+00;
	[tilespmem:s6], [sflag:$0x2] =	stream.linear.gather [hbm4b:s7+s4], $0xC800, $0x38;
	[tilespmem:$0x19080] =	vst v63  }
0xa: {  	v15 =	vimm.f32 $0.0e+00;
	v21 =	vimm.f32 $0.0e+00;
	v24 =	vimm.f32 $0.0e+00;
	s5 =	sadd.s32 $0x640, s8;
	s7 =	sadd.s32 $0x320, s8;
	s8 =	sadd.s32 $0x4B0, s8  }
.LBB2_1:
0xb: {  	_ =	swait.ge [sflag:s9], $0xC800  }
0xc: {  	[sflag:s9] =	ssyncset.done $0x0  }
0xd: {  	s12 =	simm.s32 $0x0;
	[sflag:s9] =	ssyncadd.s32 $0xFFFF3800  }
0xe: {  	v11 =	vld [tilespmem:s12+$0x180]  }
0xf: {  	v13 =	vld [tilespmem:s12+$0x190]  }
0x10: {  	v14 =	vld [tilespmem:s12+$0x1A0]  }
0x11: {  	v17 =	vld [tilespmem:s12+$0x1B0]  }
0x12: {  	v5 =	vld [tilespmem:s12+$0x1C0]  }
0x13: {  	v7 =	vld [tilespmem:s12+$0x1D0]  }
0x14: {  	v19 =	vld [tilespmem:s12+$0x100]  }
0x15: {  	v22 =	vld [tilespmem:s12+$0x110]  }
0x16: {  	v10 =	vld [tilespmem:s12+$0x120]  }
0x17: {  	v20 =	vld [tilespmem:s12+$0x130]  }
0x18: {  	v8 =	vld [tilespmem:s12+$0x140]  }
0x19: {  	v9 =	vld [tilespmem:s12+$0x150]  }
0x1a: {  	v4 =	vld [tilespmem:s12+$0x80]  }
0x1b: {  	v6 =	vld [tilespmem:s12+$0x90]  }
0x1c: {  	v16 =	vld [tilespmem:s12+$0x0]  }
0x1d: {  	v18 =	vld [tilespmem:s12+$0x10]  }
0x1e: {  	v25 =	vld [tilespmem:s12+$0x20]  }
0x1f: {  	v27 =	vld [tilespmem:s12+$0x30]  }
0x20: {  	v32 =	vld [tilespmem:s12+$0xA0]  }
0x21: {  	v33 =	vld [tilespmem:s12+$0xB0]  }
0x22: {  	v23 =	vld [tilespmem:s12+$0xC0]  }
0x23: {  	v26 =	vld [tilespmem:s12+$0xD0];
	v16 =	vadd.f32 v16, v24;
	v18 =	vadd.f32 v18, v21  }
0x24: {  	v28 =	vld [tilespmem:s12+$0x50];
	v15 =	vadd.f32 v25, v15;
	v12 =	vadd.f32 v27, v12  }
0x25: {  	v29 =	vld [tilespmem:s12+$0x60];
	v30 =	vadd.f32 v4, v16;
	v31 =	vadd.f32 v6, v18  }
0x26: {  	p0 =	por p1, p1;
	s13 =	simm.s32 $0x800;
	v27 =	vld [tilespmem:s12+$0x40];
	v32 =	vadd.f32 v32, v15;
	v33 =	vadd.f32 v33, v12  }
.LBB2_2:
0x27: {  	p1 =	sne.s32 s13, $0x31800;
	v4 =	vld [tilespmem:s12+$0x70];
	v6 =	vadd.f32 v19, v30;
	v12 =	vadd.f32 v22, v31  }
0x28: {  	v15 =	vld [tilespmem:s12+$0xE0];
	v10 =	vadd.f32 v10, v32;
	v16 =	vadd.f32 v20, v33  }
0x29: {  	v18 =	vld [tilespmem:s12+$0xF0];
	v6 =	vadd.f32 v11, v6;
	v12 =	vadd.f32 v13, v12  }
0x2a: {  	v19 =	vld [tilespmem:s12+$0x160];
	v21 =	vadd.f32 v14, v10;
	v16 =	vadd.f32 v17, v16  }
0x2b: {  	v3 =	vadd.f32 v27, v3;
	v2 =	vadd.f32 v28, v2;
	v10 =	vld [tilespmem:s12+$0x170]  }
0x2c: {  	v1 =	vadd.f32 v29, v1;
	v0 =	vadd.f32 v4, v0;
	v4 =	vld [tilespmem:s12+$0x1E0]  }
0x2d: {  	v3 =	vadd.f32 v23, v3;
	v2 =	vadd.f32 v26, v2;
	v20 =	vld [tilespmem:s12+$0x1F0];
	s12 =	sshra.s32 s13, $0x2  }
0x2e: {  	v1 =	vadd.f32 v15, v1;
	v11 =	vld [tilespmem:s12+$0x180];
	v0 =	vadd.f32 v18, v0  }
0x2f: {  	v3 =	vadd.f32 v8, v3;
	v2 =	vadd.f32 v9, v2;
	v13 =	vld [tilespmem:s12+$0x190]  }
0x30: {  	v1 =	vadd.f32 v19, v1;
	v14 =	vld [tilespmem:s12+$0x1A0];
	v0 =	vadd.f32 v10, v0  }
0x31: {  	v3 =	vadd.f32 v5, v3;
	v2 =	vadd.f32 v7, v2;
	v17 =	vld [tilespmem:s12+$0x1B0]  }
0x32: {  	v1 =	vadd.f32 v4, v1;
	v5 =	vld [tilespmem:s12+$0x1C0];
	v0 =	vadd.f32 v20, v0  }
0x33: {  	v7 =	vld [tilespmem:s12+$0x1D0]  }
0x34: {  	v19 =	vld [tilespmem:s12+$0x100]  }
0x35: {  	v22 =	vld [tilespmem:s12+$0x110]  }
0x36: {  	v10 =	vld [tilespmem:s12+$0x120]  }
0x37: {  	v20 =	vld [tilespmem:s12+$0x130]  }
0x38: {  	v8 =	vld [tilespmem:s12+$0x140]  }
0x39: {  	v9 =	vld [tilespmem:s12+$0x150]  }
0x3a: {  	v4 =	vld [tilespmem:s12+$0x80]  }
0x3b: {  	v15 =	vld [tilespmem:s12+$0x90]  }
0x3c: {  	v18 =	vld [tilespmem:s12+$0x0]  }
0x3d: {  	v24 =	vld [tilespmem:s12+$0x10]  }
0x3e: {  	v25 =	vld [tilespmem:s12+$0x20]  }
0x3f: {  	v27 =	vld [tilespmem:s12+$0x30]  }
0x40: {  	v32 =	vld [tilespmem:s12+$0xA0]  }
0x41: {  	v33 =	vld [tilespmem:s12+$0xB0]  }
.Ltmp0:
0x42: {  	v23 =	vld [tilespmem:s12+$0xC0];
	(pc) =	sbr.rel @p1 .LBB2_2-.Ltmp0, $4  }
0x43: {  	v6 =	vadd.f32 v18, v6;
	v12 =	vadd.f32 v24, v12;
	v26 =	vld [tilespmem:s12+$0xD0]  }
0x44: {  	v18 =	vadd.f32 v25, v21;
	v16 =	vadd.f32 v27, v16;
	v27 =	vld [tilespmem:s12+$0x40]  }
0x45: {  	v30 =	vadd.f32 v4, v6;
	v31 =	vadd.f32 v15, v12;
	v28 =	vld [tilespmem:s12+$0x50]  }
0x46: {  	s13 =	sadd.s32 $0x800, s13;
	v32 =	vadd.f32 v32, v18;
	v29 =	vld [tilespmem:s12+$0x60];
	v33 =	vadd.f32 v33, v16  }
0x47: {  	v34 =	vld [tilespmem:s12+$0x70]  }
0x48: {  	v35 =	vld [tilespmem:s12+$0xE0]  }
0x49: {  	v36 =	vld [tilespmem:s12+$0xF0]  }
0x4a: {  	v37 =	vld [tilespmem:s12+$0x160];
	s13 =	sadd.s32 s11, s7  }
0x4b: {  	v38 =	vld [tilespmem:s12+$0x170];
	s13 =	sshll.u32 s13, $0x4  }
0x4c: {  	v39 =	vld [tilespmem:s12+$0x1E0];
	s31 =	simm.s32 $0x0;
	s30 =	sadd.s32 s3, s13  }
0x4d: {  	v40 =	vld [tilespmem:s12+$0x1F0];
	[tilespmem:s31], [sflag:$0x1] =	stream.linear.gather [hbm4b:s30+s31], $0xC800, $0x38  }
0x4e: {  	_ =	swait.ge [sflag:s10], $0xC800  }
0x4f: {  	[sflag:s10] =	ssyncset.done $0x0  }
0x50: {  	s12 =	simm.s32 $0x0;
	[sflag:s10] =	ssyncadd.s32 $0xFFFF3800  }
0x51: {  	v12 =	vld [tilespmem:s12+$0xC980]  }
0x52: {  	v15 =	vld [tilespmem:s12+$0xC990]  }
0x53: {  	v16 =	vld [tilespmem:s12+$0xC9A0]  }
0x54: {  	v18 =	vld [tilespmem:s12+$0xC9B0]  }
0x55: {  	v4 =	vld [tilespmem:s12+$0xC9C0]  }
0x56: {  	v6 =	vld [tilespmem:s12+$0xC9D0]  }
0x57: {  	v24 =	vld [tilespmem:s12+$0xC900]  }
0x58: {  	v25 =	vld [tilespmem:s12+$0xC910]  }
0x59: {  	v21 =	vld [tilespmem:s12+$0xC920]  }
0x5a: {  	v30 =	vadd.f32 v19, v30;
	v22 =	vadd.f32 v22, v31;
	v19 =	vld [tilespmem:s12+$0xC930]  }
0x5b: {  	v60 =	vadd.f32 v10, v32;
	v20 =	vadd.f32 v20, v33;
	v10 =	vld [tilespmem:s12+$0xC940]  }
0x5c: {  	v30 =	vadd.f32 v11, v30;
	v13 =	vadd.f32 v13, v22;
	v11 =	vld [tilespmem:s12+$0xC950]  }
0x5d: {  	v3 =	vadd.f32 v27, v3;
	v17 =	vadd.f32 v17, v20;
	v20 =	vld [tilespmem:s12+$0xC880]  }
0x5e: {  	v14 =	vadd.f32 v14, v60;
	v2 =	vadd.f32 v28, v2;
	v22 =	vld [tilespmem:s12+$0xC890]  }
0x5f: {  	v1 =	vadd.f32 v29, v1;
	v0 =	vadd.f32 v34, v0;
	v27 =	vld [tilespmem:s12+$0xC800]  }
0x60: {  	v3 =	vadd.f32 v23, v3;
	v2 =	vadd.f32 v26, v2;
	v23 =	vld [tilespmem:s12+$0xC810]  }
0x61: {  	v1 =	vadd.f32 v35, v1;
	v0 =	vadd.f32 v36, v0;
	v26 =	vld [tilespmem:s12+$0xC820]  }
0x62: {  	v3 =	vadd.f32 v8, v3;
	v8 =	vadd.f32 v9, v2;
	v9 =	vld [tilespmem:s12+$0xC830]  }
0x63: {  	v62 =	vld [tilespmem:s12+$0xC8A0];
	v1 =	vadd.f32 v37, v1;
	v61 =	vadd.f32 v38, v0  }
0x64: {  	v63 =	vld [tilespmem:s12+$0xC8B0];
	v2 =	vadd.f32 v5, v3;
	v3 =	vadd.f32 v7, v8  }
0x65: {  	v5 =	vld [tilespmem:s12+$0xC8C0];
	v0 =	vadd.f32 v39, v1;
	v1 =	vadd.f32 v40, v61  }
0x66: {  	v7 =	vld [tilespmem:s12+$0xC8D0];
	v27 =	vadd.f32 v27, v30;
	v13 =	vadd.f32 v23, v13  }
0x67: {  	v8 =	vld [tilespmem:s12+$0xC840];
	v23 =	vadd.f32 v26, v14;
	v26 =	vadd.f32 v9, v17  }
0x68: {  	v9 =	vld [tilespmem:s12+$0xC850];
	v14 =	vadd.f32 v20, v27;
	v17 =	vadd.f32 v22, v13  }
0x69: {  	s13 =	simm.s32 $0x800;
	v13 =	vld [tilespmem:s12+$0xC860];
	v20 =	vadd.f32 v62, v23;
	v22 =	vadd.f32 v63, v26  }
.LBB2_4:
0x6a: {  	p1 =	sne.s32 s13, $0x31800;
	v23 =	vld [tilespmem:s12+$0xC870];
	v14 =	vadd.f32 v24, v14;
	v17 =	vadd.f32 v25, v17  }
0x6b: {  	v24 =	vld [tilespmem:s12+$0xC8E0];
	v20 =	vadd.f32 v21, v20;
	v19 =	vadd.f32 v19, v22  }
0x6c: {  	v21 =	vld [tilespmem:s12+$0xC8F0];
	v14 =	vadd.f32 v12, v14;
	v17 =	vadd.f32 v15, v17  }
0x6d: {  	v22 =	vld [tilespmem:s12+$0xC960];
	v20 =	vadd.f32 v16, v20;
	v26 =	vadd.f32 v18, v19  }
0x6e: {  	v2 =	vadd.f32 v8, v2;
	v3 =	vadd.f32 v9, v3;
	v8 =	vld [tilespmem:s12+$0xC970]  }
0x6f: {  	v0 =	vadd.f32 v13, v0;
	v1 =	vadd.f32 v23, v1;
	v9 =	vld [tilespmem:s12+$0xC9E0]  }
0x70: {  	v2 =	vadd.f32 v5, v2;
	v3 =	vadd.f32 v7, v3;
	v5 =	vld [tilespmem:s12+$0xC9F0];
	s12 =	sshra.s32 s13, $0x2  }
0x71: {  	v0 =	vadd.f32 v24, v0;
	v12 =	vld [tilespmem:s12+$0xC980];
	v1 =	vadd.f32 v21, v1  }
0x72: {  	v2 =	vadd.f32 v10, v2;
	v3 =	vadd.f32 v11, v3;
	v15 =	vld [tilespmem:s12+$0xC990]  }
0x73: {  	v0 =	vadd.f32 v22, v0;
	v16 =	vld [tilespmem:s12+$0xC9A0];
	v1 =	vadd.f32 v8, v1  }
0x74: {  	v2 =	vadd.f32 v4, v2;
	v3 =	vadd.f32 v6, v3;
	v18 =	vld [tilespmem:s12+$0xC9B0]  }
0x75: {  	v0 =	vadd.f32 v9, v0;
	v4 =	vld [tilespmem:s12+$0xC9C0];
	v1 =	vadd.f32 v5, v1  }
0x76: {  	v6 =	vld [tilespmem:s12+$0xC9D0]  }
0x77: {  	v24 =	vld [tilespmem:s12+$0xC900]  }
0x78: {  	v25 =	vld [tilespmem:s12+$0xC910]  }
0x79: {  	v21 =	vld [tilespmem:s12+$0xC920]  }
0x7a: {  	v19 =	vld [tilespmem:s12+$0xC930]  }
0x7b: {  	v10 =	vld [tilespmem:s12+$0xC940]  }
0x7c: {  	v11 =	vld [tilespmem:s12+$0xC950]  }
0x7d: {  	v13 =	vld [tilespmem:s12+$0xC880]  }
0x7e: {  	v22 =	vld [tilespmem:s12+$0xC890]  }
0x7f: {  	v7 =	vld [tilespmem:s12+$0xC800]  }
0x80: {  	v8 =	vld [tilespmem:s12+$0xC810]  }
0x81: {  	v9 =	vld [tilespmem:s12+$0xC820]  }
0x82: {  	v23 =	vld [tilespmem:s12+$0xC830]  }
0x83: {  	v27 =	vld [tilespmem:s12+$0xC8A0]  }
0x84: {  	v28 =	vld [tilespmem:s12+$0xC8B0]  }
.Ltmp1:
0x85: {  	v5 =	vld [tilespmem:s12+$0xC8C0];
	(pc) =	sbr.rel @p1 .LBB2_4-.Ltmp1, $4  }
0x86: {  	v14 =	vadd.f32 v7, v14;
	v17 =	vadd.f32 v8, v17;
	v7 =	vld [tilespmem:s12+$0xC8D0]  }
0x87: {  	v20 =	vadd.f32 v9, v20;
	v23 =	vadd.f32 v23, v26;
	v8 =	vld [tilespmem:s12+$0xC840]  }
0x88: {  	v14 =	vadd.f32 v13, v14;
	v17 =	vadd.f32 v22, v17;
	v9 =	vld [tilespmem:s12+$0xC850]  }
0x89: {  	s13 =	sadd.s32 $0x800, s13;
	v20 =	vadd.f32 v27, v20;
	v13 =	vld [tilespmem:s12+$0xC860];
	v22 =	vadd.f32 v28, v23  }
0x8a: {  	v23 =	vld [tilespmem:s12+$0xC870];
	v14 =	vadd.f32 v24, v14;
	v17 =	vadd.f32 v25, v17  }
0x8b: {  	v25 =	vld [tilespmem:s12+$0xC8E0];
	v20 =	vadd.f32 v21, v20;
	v19 =	vadd.f32 v19, v22  }
0x8c: {  	v22 =	vld [tilespmem:s12+$0xC8F0];
	v24 =	vadd.f32 v12, v14;
	v21 =	vadd.f32 v15, v17  }
0x8d: {  	v61 =	vld [tilespmem:s12+$0xC970];
	v2 =	vadd.f32 v8, v2;
	v15 =	vadd.f32 v16, v20  }
0x8e: {  	v14 =	vld [tilespmem:s12+$0xC960];
	v12 =	vadd.f32 v18, v19;
	v3 =	vadd.f32 v9, v3  }
0x8f: {  	s11 =	sadd.s32 s11, s8;
	v62 =	vld [tilespmem:s12+$0xC9E0];
	v0 =	vadd.f32 v13, v0;
	v1 =	vadd.f32 v23, v1  }
0x90: {  	s13 =	smov.u32 s5;
	p1 =	slt.s32 s11, s5;
	v13 =	vld [tilespmem:s12+$0xC9F0];
	v2 =	vadd.f32 v5, v2;
	v3 =	vadd.f32 v7, v3  }
.Ltmp2:
0x91: {  	s13 =	smov.u32 @p1 s11;
	v0 =	vadd.f32 v25, v0;
	v1 =	vadd.f32 v22, v1;
	(pc) =	sbr.rel @p0 .LBB2_1-.Ltmp2, $4  }
0x92: {  	s11 =	sshll.u32 s13, $0x4;
	v2 =	vadd.f32 v10, v2;
	v5 =	vadd.f32 v11, v3  }
0x93: {  	s11 =	sadd.s32 s3, s11;
	v0 =	vadd.f32 v14, v0;
	v63 =	vadd.f32 v61, v1  }
0x94: {  	[tilespmem:s6], [sflag:$0x2] =	stream.linear.gather [hbm4b:s11+s4], $0xC800, $0x38;
	v3 =	vadd.f32 v4, v2;
	v2 =	vadd.f32 v6, v5;
	[tilespmem:$0x19080] =	vst v63  }
0x95: {  	p1 =	por $0x0, $0x0;
	s11 =	simm.s32 $0x320;
	v1 =	vadd.f32 v62, v0;
	v0 =	vadd.f32 v13, v63  }
0x96: {  	s3 =	simm.s32 $0x1  }
0x97: {  	_ =	swait.ge [sflag:s3], $0xC800  }
0x98: {  	[sflag:s3] =	ssyncset.done $0x0  }
0x99: {  	[sflag:s3] =	ssyncadd.s32 $0xFFFF3800;
	s3 =	simm.s32 $0x0  }
0x9a: {  	v8 =	vld [tilespmem:s3+$0x180]  }
0x9b: {  	v9 =	vld [tilespmem:s3+$0x190]  }
0x9c: {  	v10 =	vld [tilespmem:s3+$0x1A0]  }
0x9d: {  	v11 =	vld [tilespmem:s3+$0x1B0]  }
0x9e: {  	v4 =	vld [tilespmem:s3+$0x1C0]  }
0x9f: {  	v5 =	vld [tilespmem:s3+$0x1D0]  }
0xa0: {  	v14 =	vld [tilespmem:s3+$0x100]  }
0xa1: {  	v17 =	vld [tilespmem:s3+$0x110]  }
0xa2: {  	v13 =	vld [tilespmem:s3+$0x120]  }
0xa3: {  	v16 =	vld [tilespmem:s3+$0x130]  }
0xa4: {  	v7 =	vld [tilespmem:s3+$0x140]  }
0xa5: {  	v6 =	vld [tilespmem:s3+$0x150]  }
0xa6: {  	v20 =	vld [tilespmem:s3+$0x80]  }
0xa7: {  	v22 =	vld [tilespmem:s3+$0x90]  }
0xa8: {  	v19 =	vld [tilespmem:s3+$0x0]  }
0xa9: {  	v23 =	vld [tilespmem:s3+$0x10]  }
0xaa: {  	v25 =	vld [tilespmem:s3+$0x20]  }
0xab: {  	v26 =	vld [tilespmem:s3+$0x30]  }
0xac: {  	v27 =	vld [tilespmem:s3+$0xA0]  }
0xad: {  	v28 =	vld [tilespmem:s3+$0xB0]  }
0xae: {  	v18 =	vld [tilespmem:s3+$0xC0]  }
0xaf: {  	v24 =	vadd.f32 v19, v24;
	v23 =	vadd.f32 v23, v21;
	v19 =	vld [tilespmem:s3+$0xD0]  }
0xb0: {  	v25 =	vadd.f32 v25, v15;
	v26 =	vadd.f32 v26, v12;
	v15 =	vld [tilespmem:s3+$0x40]  }
0xb1: {  	v12 =	vld [tilespmem:s3+$0x50];
	v21 =	vadd.f32 v20, v24;
	v22 =	vadd.f32 v22, v23  }
0xb2: {  	s4 =	simm.s32 $0x800;
	v20 =	vld [tilespmem:s3+$0x60];
	v23 =	vadd.f32 v27, v25;
	v24 =	vadd.f32 v28, v26  }
.LBB2_7:
0xb3: {  	p0 =	sne.s32 s4, $0x31800;
	v25 =	vld [tilespmem:s3+$0x70];
	v14 =	vadd.f32 v14, v21;
	v17 =	vadd.f32 v17, v22  }
0xb4: {  	v21 =	vld [tilespmem:s3+$0xE0];
	v13 =	vadd.f32 v13, v23;
	v16 =	vadd.f32 v16, v24  }
0xb5: {  	v22 =	vld [tilespmem:s3+$0xF0];
	v23 =	vadd.f32 v8, v14;
	v24 =	vadd.f32 v9, v17  }
0xb6: {  	v14 =	vld [tilespmem:s3+$0x160];
	v26 =	vadd.f32 v10, v13;
	v27 =	vadd.f32 v11, v16  }
0xb7: {  	v3 =	vadd.f32 v15, v3;
	v2 =	vadd.f32 v12, v2;
	v11 =	vld [tilespmem:s3+$0x170]  }
0xb8: {  	v1 =	vadd.f32 v20, v1;
	v0 =	vadd.f32 v25, v0;
	v12 =	vld [tilespmem:s3+$0x1E0]  }
0xb9: {  	v3 =	vadd.f32 v18, v3;
	v2 =	vadd.f32 v19, v2;
	v13 =	vld [tilespmem:s3+$0x1F0];
	s3 =	sshra.s32 s4, $0x2  }
0xba: {  	v1 =	vadd.f32 v21, v1;
	v8 =	vld [tilespmem:s3+$0x180];
	v0 =	vadd.f32 v22, v0  }
0xbb: {  	v3 =	vadd.f32 v7, v3;
	v2 =	vadd.f32 v6, v2;
	v9 =	vld [tilespmem:s3+$0x190]  }
0xbc: {  	v1 =	vadd.f32 v14, v1;
	v10 =	vld [tilespmem:s3+$0x1A0];
	v0 =	vadd.f32 v11, v0  }
0xbd: {  	v3 =	vadd.f32 v4, v3;
	v2 =	vadd.f32 v5, v2;
	v11 =	vld [tilespmem:s3+$0x1B0]  }
0xbe: {  	v1 =	vadd.f32 v12, v1;
	v4 =	vld [tilespmem:s3+$0x1C0];
	v0 =	vadd.f32 v13, v0  }
0xbf: {  	v5 =	vld [tilespmem:s3+$0x1D0]  }
0xc0: {  	v14 =	vld [tilespmem:s3+$0x100]  }
0xc1: {  	v17 =	vld [tilespmem:s3+$0x110]  }
0xc2: {  	v13 =	vld [tilespmem:s3+$0x120]  }
0xc3: {  	v16 =	vld [tilespmem:s3+$0x130]  }
0xc4: {  	v7 =	vld [tilespmem:s3+$0x140]  }
0xc5: {  	v6 =	vld [tilespmem:s3+$0x150]  }
0xc6: {  	v20 =	vld [tilespmem:s3+$0x80]  }
0xc7: {  	v22 =	vld [tilespmem:s3+$0x90]  }
0xc8: {  	v12 =	vld [tilespmem:s3+$0x0]  }
0xc9: {  	v15 =	vld [tilespmem:s3+$0x10]  }
0xca: {  	v21 =	vld [tilespmem:s3+$0x20]  }
0xcb: {  	v25 =	vld [tilespmem:s3+$0x30]  }
0xcc: {  	v28 =	vld [tilespmem:s3+$0xA0]  }
0xcd: {  	v29 =	vld [tilespmem:s3+$0xB0]  }
.Ltmp3:
0xce: {  	v18 =	vld [tilespmem:s3+$0xC0];
	(pc) =	sbr.rel @p0 .LBB2_7-.Ltmp3, $4  }
0xcf: {  	v23 =	vadd.f32 v12, v23;
	v24 =	vadd.f32 v15, v24;
	v19 =	vld [tilespmem:s3+$0xD0]  }
0xd0: {  	v26 =	vadd.f32 v21, v26;
	v25 =	vadd.f32 v25, v27;
	v15 =	vld [tilespmem:s3+$0x40]  }
0xd1: {  	v21 =	vadd.f32 v20, v23;
	v22 =	vadd.f32 v22, v24;
	v12 =	vld [tilespmem:s3+$0x50]  }
0xd2: {  	s4 =	sadd.s32 $0x800, s4;
	v23 =	vadd.f32 v28, v26;
	v20 =	vld [tilespmem:s3+$0x60];
	v24 =	vadd.f32 v29, v25  }
0xd3: {  	v25 =	vld [tilespmem:s3+$0x70]  }
0xd4: {  	v26 =	vld [tilespmem:s3+$0xE0]  }
0xd5: {  	v27 =	vld [tilespmem:s3+$0xF0];
	v14 =	vadd.f32 v14, v21;
	v17 =	vadd.f32 v17, v22  }
0xd6: {  	v60 =	vld [tilespmem:s3+$0x160];
	v13 =	vadd.f32 v13, v23;
	v16 =	vadd.f32 v16, v24  }
0xd7: {  	v61 =	vld [tilespmem:s3+$0x170];
	v8 =	vadd.f32 v8, v14;
	v9 =	vadd.f32 v9, v17  }
0xd8: {  	v62 =	vld [tilespmem:s3+$0x1E0];
	s28 =	simm.s32 $0x2;
	v3 =	vadd.f32 v15, v3;
	v10 =	vadd.f32 v10, v13  }
0xd9: {  	v63 =	vld [tilespmem:s3+$0x1F0];
	_ =	swait.ge [sflag:s28], $0xC800;
	v11 =	vadd.f32 v11, v16;
	v2 =	vadd.f32 v12, v2  }
0xda: {  	[sflag:s28] =	ssyncset.done $0x0;
	v1 =	vadd.f32 v20, v1;
	v3 =	vadd.f32 v18, v3  }
0xdb: {  	[sflag:s28] =	ssyncadd.s32 $0xFFFF3800;
	v0 =	vadd.f32 v25, v0;
	v2 =	vadd.f32 v19, v2  }
0xdc: {  	[tilespmem:$0x19000] =	vst v8;
	v1 =	vadd.f32 v26, v1;
	v3 =	vadd.f32 v7, v3  }
0xdd: {  	[tilespmem:$0x19010] =	vst v9;
	v0 =	vadd.f32 v27, v0;
	v2 =	vadd.f32 v6, v2  }
0xde: {  	[tilespmem:$0x19020] =	vst v10;
	v1 =	vadd.f32 v60, v1;
	v3 =	vadd.f32 v4, v3  }
0xdf: {  	[tilespmem:$0x19030] =	vst v11;
	v0 =	vadd.f32 v61, v0;
	v2 =	vadd.f32 v5, v2  }
0xe0: {  	v1 =	vadd.f32 v62, v1;
	[tilespmem:$0x19040] =	vst v3  }
0xe1: {  	v0 =	vadd.f32 v63, v0;
	[tilespmem:$0x19050] =	vst v2  }
0xe2: {  	s29 =	sshll.u32 s1, $0x4;
	s30 =	simm.s32 $0x0;
	[tilespmem:$0x19060] =	vst v1  }
0xe3: {  	s4 =	simm.s32 $0x19000;
	s31 =	simm.s32 $0x3;
	s2 =	sadd.s32 s2, s29;
	[tilespmem:$0x19070] =	vst v0  }
0xe4: {  	[hbm4b:s2+s30] =	stream.linear.scatter [tilespmem:s4], [sflag:$0x3], $0x80, $0x38;
	[tilespmem:$0x19080] =	vst v63  }
0xe5: {  	_ =	swait.ge [sflag:s31], $0x80  }
0xe6: {  	[sflag:s31] =	ssyncset.done $0x0  }
0xe7: {  	[sflag:s31] =	ssyncadd.s32 $0xFFFFFF80  }
0xe8: {  	_ =	sfence.sel $0x180000  }
0xe9: {  	[bflag:$0x0] =	sbarrier.arrive $0xFFFF  }
0xea: {  	p0 =	sne.s32 s1, $0x0;
	_ =	strace $0x90000047  }
0xeb: {  	s0 =	sadd.s32 @!p0 $0x100000, s0;
	[bflag:$0x2] =	sbarrier.arrive $0xFFFF  }
0xec: {  	[sflag:s0] =	ssyncadd.tile.s32 @!p0 $0x1;
	_ =	shalt  }
.Lfunc_end2:
_tile_overlayer_lowered:
.L_overlay_start_2:
0xed: {  	(tag) =	ssettag $0x2  }
0xee: {  	s0 =	rddreg [dreg:$0x0];
	s2 =	stileid.u32  }
0xef: {  	s1 =	rddreg [dreg:$0x1];
	p0 =	sne.s32 s2, $0x0  }
0xf0: {  	s3 =	rddreg [dreg:$0x2];
	[bflag:$0x3] =	sbarrier.arrive $0xFFFF;
	s2 =	simm.s32 @!p0 $0x1C03  }
0xf1: {  	[timem:s3], [sflag:s2] =	dma.local @!p0 [hbm:s0], s1  }
0xf2: {  	s0 =	simm.s32 @!p0 $0x3  }
0xf3: {  	_ =	swait.ge @!p0 [sflag:s0], s1  }
0xf4: {  	s1 =	ssub.s32 @!p0 $0x0, s1;
	[sflag:s0] =	ssyncset.done @!p0 $0x0  }
0xf5: {  	[sflag:s0] =	ssyncadd.s32 @!p0 s1  }
0xf6: {  	[bflag:$0x3] =	sbarrier.arrive $0xFFFF  }
0xf7: {  	_ =	shalt  }

</sc_bundles>
